<compile_context>
chip_gen: v7x
topology: tpu7x:2x2x1
jax: 0.10.2.dev20260603
libtpu: 0.0.44.dev20260713+nightly
codegen_flags: <defaults>
</compile_context>

<pallas_src>
import functools

import jax
import jax.numpy as jnp
from jax import lax
from jax.experimental import pallas as pl
from jax.experimental.pallas import tpu as pltpu
from jax.experimental.pallas import tpu_sc as plsc

_NC = 2
_NS = 16
_NW = _NC * _NS
_L = 16


def _sc_partials(match_flat, tgt_flat, bbox_flat, *, A, M):
    chunk_len = A // 4
    steps = chunk_len // _L

    mesh = plsc.VectorSubcoreMesh(core_axis_name="c", subcore_axis_name="s")

    @functools.partial(
        pl.kernel,
        mesh=mesh,
        compiler_params=pltpu.CompilerParams(needs_layout_passes=False),
        out_type=jax.ShapeDtypeStruct((2 * _NW, _L), jnp.float32),
        scratch_types=[
            pltpu.VMEM((chunk_len,), jnp.int32),
            pltpu.VMEM((4 * chunk_len,), jnp.float32),
            pltpu.VMEM((4 * M,), jnp.float32),
            pltpu.VMEM((_L,), jnp.int32),
            pltpu.VMEM((_L,), jnp.float32),
            pltpu.VMEM_SHARED((_NS, _L), jnp.int32),
            pltpu.SemaphoreType.DMA,
        ],
    )
    def body(match_hbm, tgt_hbm, bbox_hbm, out_hbm,
             mchunk, bchunk, trow, stage_i, stage_f, shared_cnt, sem):
        c = lax.axis_index("c")
        s = lax.axis_index("s")
        wid = c * _NS + s
        row = wid // 4
        chunk = s % 4
        iota = lax.iota(jnp.int32, _L)

        bcopy = pltpu.make_async_copy(
            bbox_hbm.at[pl.ds(wid * 4 * chunk_len, 4 * chunk_len)], bchunk,
            sem)
        bcopy.start()
        pltpu.sync_copy(match_hbm.at[pl.ds(wid * chunk_len, chunk_len)],
                        mchunk)
        pltpu.sync_copy(tgt_hbm.at[pl.ds(row * 4 * M, 4 * M)], trow)

        def count_step(j, run_s):
            v = mchunk[pl.ds(j * _L, _L)]
            return run_s + jnp.sum((v == 1).astype(jnp.int32))

        cnt = lax.fori_loop(0, steps, count_step, jnp.int32(0))

        stage_i[...] = jnp.zeros((_L,), jnp.int32) + cnt
        pltpu.sync_copy(stage_i, shared_cnt.at[s])
        plsc.subcore_barrier()
        row_local = s // 4
        base_v = jnp.zeros((_L,), jnp.int32)
        for jj in range(3):
            pltpu.sync_copy(shared_cnt.at[row_local * 4 + jj], stage_i)
            cv = stage_i[...]
            take = (jnp.zeros((_L,), jnp.int32) + jj) < chunk
            base_v = base_v + jnp.where(take, cv, 0)

        bcopy.wait()

        def group_step(j, carry):
            run_s, acc = carry
            v = mchunk[pl.ds(j * _L, _L)]
            m = v == 1
            mi = m.astype(jnp.int32)
            g = jnp.sum(mi)

            def hot(_):
                pf = plsc.cumsum(mi)
                rank = base_v + run_s + pf - 1
                rank = jnp.clip(rank, 0, M - 1)
                boff = j * (4 * _L) + iota * 4
                tot = jnp.zeros((_L,), jnp.float32)
                for d in range(4):
                    t = plsc.load_gather(trow, [rank * 4 + d])
                    b = plsc.load_gather(bchunk, [boff + d])
                    diff = jnp.abs(t - b)
                    tot = tot + jnp.where(diff < 1.0, 0.5 * diff * diff,
                                          diff - 0.5)
                return acc + jnp.where(m, tot, 0.0)

            acc = lax.cond(g > 0, hot, lambda _: acc, 0)
            return run_s + g, acc

        _, acc = lax.fori_loop(
            0, steps, group_step,
            (jnp.int32(0), jnp.zeros((_L,), jnp.float32)))

        stage_f[...] = acc
        pltpu.sync_copy(stage_f, out_hbm.at[wid])
        stage_f[...] = jnp.zeros((_L,), jnp.float32) + cnt.astype(jnp.float32)
        pltpu.sync_copy(stage_f, out_hbm.at[_NW + wid])

    return body(match_flat, tgt_flat, bbox_flat)


def _finish_body(p_ref, o_ref):
    x = p_ref[...]
    total = jnp.sum(x[:_NW])
    n = jnp.sum(x[_NW:]) * (4.0 / _L)
    o_ref[...] = jnp.where(n > 0.0, total / n, 0.0).reshape(1, 1)


def kernel(target_bbox, rpn_match, rpn_bbox):
    B, M, _ = target_bbox.shape
    A = rpn_match.shape[1]
    match_flat = rpn_match.reshape(B * A)
    tgt_flat = target_bbox.reshape(B * M * 4)
    bbox_flat = rpn_bbox.reshape(B * A * 4)
    partials = _sc_partials(match_flat, tgt_flat, bbox_flat, A=A, M=M)
    out = pl.pallas_call(
        _finish_body,
        out_shape=jax.ShapeDtypeStruct((1, 1), jnp.float32),
    )(partials)
    return out[0, 0]

# --- scband reference (transcript-rebuilt; emitter-appended) ---
"""Pipeline reference for scband-rpnbboxloss-1228360646795 (READ-ONLY COPY).

The authoritative reference and input builder live on the scoring server;
editing this copy changes nothing except your own understanding.
"""

import jax, jax.numpy as jnp
import numpy as np


def smooth_l1(y_true, y_pred):
    diff = jnp.abs(y_true - y_pred)
    lt1 = (diff < 1.0).astype(jnp.float32)
    return lt1 * 0.5 * diff ** 2 + (1.0 - lt1) * (diff - 0.5)


def setup_inputs(seed: int = 0):
    key = jax.random.key(seed)
    k1, k2, k3 = jax.random.split(key, 3)
    B, A, M = 8, 65472, 512
    target_bbox = jax.random.normal(k1, (B, M, 4), dtype=jnp.float32)
    rpn_match = jax.random.randint(k2, (B, A, 1), 0, 512, dtype=jnp.int32)
    rpn_bbox = jax.random.normal(k3, (B, A, 4), dtype=jnp.float32)
    return {"target_bbox": target_bbox, "rpn_match": rpn_match, "rpn_bbox": rpn_bbox}


def reference(target_bbox, rpn_match, rpn_bbox):
    # rpn_match: [B, A, 1]; 1 = positive anchor
    match = jnp.squeeze(rpn_match, -1)          # [B, A]
    mask = (match == 1)                          # positive anchors
    maskf = mask.astype(jnp.float32)
    # TF version gathers positives (ordered by batch, anchor) and pairs the
    # j-th positive of image i with target_bbox[i, j] via batch_pack_graph.
    # Equivalent static-shape formulation: per-anchor rank among positives
    # in its own row selects the matching padded target row.
    rank = jnp.cumsum(mask.astype(jnp.int32), axis=1) - 1   # [B, A]
    M = target_bbox.shape[1]
    rank_c = jnp.clip(rank, 0, M - 1)
    B, A = mask.shape
    idx = jnp.broadcast_to(rank_c[:, :, None], (B, A, 4))
    t = jnp.take_along_axis(target_bbox, idx, axis=1)       # [B, A, 4]
    loss_elem = smooth_l1(t, rpn_bbox) * maskf[:, :, None]
    n = jnp.sum(maskf) * 4.0                                 # elements in [N, 4]
    loss = jnp.where(n > 0, jnp.sum(loss_elem) / n, jnp.float32(0.0))
    return loss

if __name__ == "__main__":
    import jax
    _d = setup_inputs()
    print(jax.jit(kernel)(*tuple(_d.values())))

</pallas_src>

<mosaic_0001>
#map = affine_map<(d0, d1) -> (0)>
#map1 = affine_map<(d0, d1) -> (0, 0)>
module attributes {stable_mosaic.version = 14 : i64} {
  func.func @body(%arg0: i32, %arg1: i32, %arg2: memref<523776xi32, #tpu.memory_space<hbm>>, %arg3: memref<16384xf32, #tpu.memory_space<hbm>>, %arg4: memref<2095104xf32, #tpu.memory_space<hbm>>, %arg5: memref<64x16xf32, #tpu.memory_space<hbm>>, %arg6: memref<16368xi32, #tpu.memory_space<vmem>>, %arg7: memref<65472xf32, #tpu.memory_space<vmem>>, %arg8: memref<2048xf32, #tpu.memory_space<vmem>>, %arg9: memref<16xi32, #tpu.memory_space<vmem>>, %arg10: memref<16xf32, #tpu.memory_space<vmem>>, %arg11: memref<16x16xi32, #tpu.memory_space<vmem_shared>>, %arg12: memref<!tpu.dma_semaphore, #tpu.memory_space<semaphore_mem>>) attributes {dimension_semantics = [#tpu.dimension_semantics<core_parallel>, #tpu.dimension_semantics<subcore_parallel>], iteration_bounds = array<i64: 2, 16>, scalar_prefetch = 0 : i64, scratch_operands = 7 : i64, tpu.core_type = #tpu.core_type<sc_vector_subcore>, window_params = [{transform_indices = #map}, {transform_indices = #map}, {transform_indices = #map}, {transform_indices = #map1}]} {
    %mul3A = arith.constant 16 : i32
    %mul3A_0 = arith.muli %arg0, %mul3A : i32
    %add3A = arith.addi %mul3A_0, %arg1 : i32
    %jit3A = arith.constant 4 : i32
    %div3A = arith.divsi %add3A, %jit3A : i32
    %sign3A = arith.constant 0 : i32
    %sign3A_1 = arith.cmpi sgt, %add3A, %sign3A : i32
    %sign3A_2 = arith.extui %sign3A_1 : i1 to i32
    %sign3A_3 = arith.constant 0 : i32
    %sign3A_4 = arith.cmpi slt, %add3A, %sign3A_3 : i32
    %sign3A_5 = arith.extui %sign3A_4 : i1 to i32
    %sign3A_6 = arith.subi %sign3A_2, %sign3A_5 : i32
    %sign3A_7 = arith.constant 0 : i32
    %sign3A_8 = arith.cmpi sgt, %jit3A, %sign3A_7 : i32
    %sign3A_9 = arith.extui %sign3A_8 : i1 to i32
    %sign3A_10 = arith.constant 0 : i32
    %sign3A_11 = arith.cmpi slt, %jit3A, %sign3A_10 : i32
    %sign3A_12 = arith.extui %sign3A_11 : i1 to i32
    %sign3A_13 = arith.subi %sign3A_9, %sign3A_12 : i32
    %ne3A = arith.cmpi ne, %sign3A_6, %sign3A_13 : i32
    %rem3A = arith.remsi %add3A, %jit3A : i32
    %ne3A_14 = arith.constant 0 : i32
    %ne3A_15 = arith.cmpi ne, %rem3A, %ne3A_14 : i32
    %and3A = arith.andi %ne3A, %ne3A_15 : i1
    %sub3A = arith.constant 1 : i32
    %sub3A_16 = arith.subi %div3A, %sub3A : i32
    %select_n3A = arith.select %and3A, %sub3A_16, %div3A : i32
    %jit3A_17 = arith.constant 4 : i32
    %eq3A = arith.constant 0 : i32
    %eq3A_18 = arith.cmpi eq, %jit3A_17, %eq3A : i32
    %jit3A_19 = arith.constant 1 : i32
    %select_n3A_20 = arith.select %eq3A_18, %jit3A_19, %jit3A_17 : i32
    %rem3A_21 = arith.remsi %arg1, %select_n3A_20 : i32
    %ne3A_22 = arith.constant 0 : i32
    %ne3A_23 = arith.cmpi ne, %rem3A_21, %ne3A_22 : i32
    %lt3A = arith.constant 0 : i32
    %lt3A_24 = arith.cmpi slt, %rem3A_21, %lt3A : i32
    %lt3A_25 = arith.constant 0 : i32
    %lt3A_26 = arith.cmpi slt, %select_n3A_20, %lt3A_25 : i32
    %ne3A_27 = arith.xori %lt3A_24, %lt3A_26 : i1
    %and3A_28 = arith.andi %ne3A_27, %ne3A_23 : i1
    %add3A_29 = arith.addi %rem3A_21, %select_n3A_20 : i32
    %select_n3A_30 = arith.select %and3A_28, %add3A_29, %rem3A_21 : i32
    %iota3A = tpu.iota {dimensions = array<i32: 0>} : vector<16xi32>
    %mul3A_31 = arith.constant 4 : i32
    %mul3A_32 = arith.muli %add3A, %mul3A_31 : i32
    %mul3A_33 = arith.constant 16368 : i32
    %mul3A_34 = arith.muli %mul3A_32, %mul3A_33 : i32
    %dma_start3A = tpu.memref_slice %arg4[%mul3A_34] : memref<2095104xf32, #tpu.memory_space<hbm>> -> memref<65472xf32, #tpu.memory_space<hbm>>
    %dma_start3A_35 = tpu.memref_slice %arg4[%mul3A_34] : memref<2095104xf32, #tpu.memory_space<hbm>> -> memref<65472xf32, #tpu.memory_space<hbm>>
    tpu.enqueue_dma source(%dma_start3A_35 : memref<65472xf32, #tpu.memory_space<hbm>>) target(%arg7 : memref<65472xf32, #tpu.memory_space<vmem>>) target_semaphore(%arg12 : memref<!tpu.dma_semaphore, #tpu.memory_space<semaphore_mem>>)
    %mul3A_36 = arith.constant 16368 : i32
    %mul3A_37 = arith.muli %add3A, %mul3A_36 : i32
    "tpu.region"() ({
      %run_scoped3A = tpu.sem_alloc : memref<!tpu.dma_semaphore, #tpu.memory_space<semaphore_mem>>
      %dma_start3A_148 = tpu.memref_slice %arg2[%mul3A_37] : memref<523776xi32, #tpu.memory_space<hbm>> -> memref<16368xi32, #tpu.memory_space<hbm>>
      %dma_start3A_149 = tpu.memref_slice %arg2[%mul3A_37] : memref<523776xi32, #tpu.memory_space<hbm>> -> memref<16368xi32, #tpu.memory_space<hbm>>
      tpu.enqueue_dma source(%dma_start3A_149 : memref<16368xi32, #tpu.memory_space<hbm>>) target(%arg6 : memref<16368xi32, #tpu.memory_space<vmem>>) target_semaphore(%run_scoped3A : memref<!tpu.dma_semaphore, #tpu.memory_space<semaphore_mem>>)
      %dma_wait3A_150 = tpu.memref_slice %arg2[%mul3A_37] : memref<523776xi32, #tpu.memory_space<hbm>> -> memref<16368xi32, #tpu.memory_space<hbm>>
      %dma_wait3A_151 = tpu.memref_slice %arg2[%mul3A_37] : memref<523776xi32, #tpu.memory_space<hbm>> -> memref<16368xi32, #tpu.memory_space<hbm>>
      tpu.wait_dma2 semaphore(%run_scoped3A : memref<!tpu.dma_semaphore, #tpu.memory_space<semaphore_mem>>) src(%dma_wait3A_151 : memref<16368xi32, #tpu.memory_space<hbm>>) dst(%arg6 : memref<16368xi32, #tpu.memory_space<vmem>>)
      tpu.yield
    }) : () -> ()
    %mul3A_38 = arith.constant 4 : i32
    %mul3A_39 = arith.muli %select_n3A, %mul3A_38 : i32
    %mul3A_40 = arith.constant 512 : i32
    %mul3A_41 = arith.muli %mul3A_39, %mul3A_40 : i32
    "tpu.region"() ({
      %run_scoped3A = tpu.sem_alloc : memref<!tpu.dma_semaphore, #tpu.memory_space<semaphore_mem>>
      %dma_start3A_148 = tpu.memref_slice %arg3[%mul3A_41] : memref<16384xf32, #tpu.memory_space<hbm>> -> memref<2048xf32, #tpu.memory_space<hbm>>
      %dma_start3A_149 = tpu.memref_slice %arg3[%mul3A_41] : memref<16384xf32, #tpu.memory_space<hbm>> -> memref<2048xf32, #tpu.memory_space<hbm>>
      tpu.enqueue_dma source(%dma_start3A_149 : memref<2048xf32, #tpu.memory_space<hbm>>) target(%arg8 : memref<2048xf32, #tpu.memory_space<vmem>>) target_semaphore(%run_scoped3A : memref<!tpu.dma_semaphore, #tpu.memory_space<semaphore_mem>>)
      %dma_wait3A_150 = tpu.memref_slice %arg3[%mul3A_41] : memref<16384xf32, #tpu.memory_space<hbm>> -> memref<2048xf32, #tpu.memory_space<hbm>>
      %dma_wait3A_151 = tpu.memref_slice %arg3[%mul3A_41] : memref<16384xf32, #tpu.memory_space<hbm>> -> memref<2048xf32, #tpu.memory_space<hbm>>
      tpu.wait_dma2 semaphore(%run_scoped3A : memref<!tpu.dma_semaphore, #tpu.memory_space<semaphore_mem>>) src(%dma_wait3A_151 : memref<2048xf32, #tpu.memory_space<hbm>>) dst(%arg8 : memref<2048xf32, #tpu.memory_space<vmem>>)
      tpu.yield
    }) : () -> ()
    %scan3A = arith.constant 0 : i32
    %scan3A_42 = arith.constant 0 : i32
    %scan3A_43 = arith.constant 1023 : i32
    %scan3A_44 = arith.addi %scan3A_42, %scan3A_43 : i32
    %scan3A_45 = arith.constant 1 : i32
    %scan3A_46 = scf.for %scan3A_148 = %scan3A_42 to %scan3A_44 step %scan3A_45 iter_args(%scan3A_149 = %scan3A) -> (i32)  : i32 {
      %mul3A_150 = arith.constant 16 : i32
      %mul3A_151 = arith.muli %scan3A_148, %mul3A_150 : i32
      %get3A_152 = arith.index_cast %mul3A_151 : i32 to index
      %get3A_153 = tpu.vector_load %arg6[%get3A_152] {strides = array<i32>} : memref<16368xi32, #tpu.memory_space<vmem>>, vector<16xi32>,
      %eq3A_154 = arith.constant 1 : i32
      %eq3A_155 = vector.broadcast %eq3A_154 : i32 to vector<16xi32>
      %eq3A_156 = arith.cmpi eq, %get3A_153, %eq3A_155 : vector<16xi32>
      %convert_element_type3A_157 = arith.extui %eq3A_156 : vector<16xi1> to vector<16xi32>
      %reduce_sum3A = arith.constant true
      %reduce_sum3A_158 = vector.broadcast %reduce_sum3A : i1 to vector<16xi1>
      %reduce_sum3A_159 = tpu.scan <sum>, %convert_element_type3A_157 masked %reduce_sum3A_158 : vector<16xi32>, vector<16xi1> -> vector<16xi32>
      %reduce_sum3A_160 = vector.extract %reduce_sum3A_159[15] : i32 from vector<16xi32>
      %add3A_161 = arith.addi %scan3A_149, %reduce_sum3A_160 : i32
      scf.yield %add3A_161 : i32
    }
    %scan3A_47 = arith.constant 1023 : i32
    %broadcast_in_dim3A = arith.constant 0 : i32
    %broadcast_in_dim3A_48 = vector.broadcast %broadcast_in_dim3A : i32 to vector<16xi32>
    %add3A_49 = vector.broadcast %scan3A_46 : i32 to vector<16xi32>
    %add3A_50 = arith.addi %broadcast_in_dim3A_48, %add3A_49 : vector<16xi32>
    %swap3A = arith.constant 0 : index
    %swap3A_51 = tpu.vector_load %arg9[%swap3A] {strides = array<i32>} : memref<16xi32, #tpu.memory_space<vmem>>, vector<16xi32>,
    tpu.vector_store %arg9[%swap3A], %add3A_50 {strides = array<i32>} : memref<16xi32, #tpu.memory_space<vmem>>, vector<16xi32>,
    "tpu.region"() ({
      %run_scoped3A = tpu.sem_alloc : memref<!tpu.dma_semaphore, #tpu.memory_space<semaphore_mem>>
      %dma_start3A_148 = arith.constant 0 : i32
      %dma_start3A_149 = tpu.memref_slice %arg11[%arg1, %dma_start3A_148] : memref<16x16xi32, #tpu.memory_space<vmem_shared>> -> memref<1x16xi32, #tpu.memory_space<vmem_shared>>
      %dma_start3A_150 = tpu.memref_squeeze %dma_start3A_149 : memref<1x16xi32, #tpu.memory_space<vmem_shared>> -> memref<16xi32, #tpu.memory_space<vmem_shared>>
      %dma_start3A_151 = arith.constant 0 : i32
      %dma_start3A_152 = tpu.memref_slice %arg11[%arg1, %dma_start3A_151] : memref<16x16xi32, #tpu.memory_space<vmem_shared>> -> memref<1x16xi32, #tpu.memory_space<vmem_shared>>
      %dma_start3A_153 = tpu.memref_squeeze %dma_start3A_152 : memref<1x16xi32, #tpu.memory_space<vmem_shared>> -> memref<16xi32, #tpu.memory_space<vmem_shared>>
      tpu.enqueue_dma source(%arg9 : memref<16xi32, #tpu.memory_space<vmem>>) target(%dma_start3A_153 : memref<16xi32, #tpu.memory_space<vmem_shared>>) target_semaphore(%run_scoped3A : memref<!tpu.dma_semaphore, #tpu.memory_space<semaphore_mem>>)
      %dma_wait3A_154 = arith.constant 0 : i32
      %dma_wait3A_155 = tpu.memref_slice %arg11[%arg1, %dma_wait3A_154] : memref<16x16xi32, #tpu.memory_space<vmem_shared>> -> memref<1x16xi32, #tpu.memory_space<vmem_shared>>
      %dma_wait3A_156 = tpu.memref_squeeze %dma_wait3A_155 : memref<1x16xi32, #tpu.memory_space<vmem_shared>> -> memref<16xi32, #tpu.memory_space<vmem_shared>>
      %dma_wait3A_157 = arith.constant 0 : i32
      %dma_wait3A_158 = tpu.memref_slice %arg11[%arg1, %dma_wait3A_157] : memref<16x16xi32, #tpu.memory_space<vmem_shared>> -> memref<1x16xi32, #tpu.memory_space<vmem_shared>>
      %dma_wait3A_159 = tpu.memref_squeeze %dma_wait3A_158 : memref<1x16xi32, #tpu.memory_space<vmem_shared>> -> memref<16xi32, #tpu.memory_space<vmem_shared>>
      tpu.wait_dma2 semaphore(%run_scoped3A : memref<!tpu.dma_semaphore, #tpu.memory_space<semaphore_mem>>) src(%arg9 : memref<16xi32, #tpu.memory_space<vmem>>) dst(%dma_wait3A_159 : memref<16xi32, #tpu.memory_space<vmem_shared>>)
      tpu.yield
    }) : () -> ()
    %barrier3A = arith.constant 0 : index
    tpu.barrier barrier_id(%barrier3A)
    %jit3A_52 = arith.constant 4 : i32
    %div3A_53 = arith.divsi %arg1, %jit3A_52 : i32
    %sign3A_54 = arith.constant 0 : i32
    %sign3A_55 = arith.cmpi sgt, %arg1, %sign3A_54 : i32
    %sign3A_56 = arith.extui %sign3A_55 : i1 to i32
    %sign3A_57 = arith.constant 0 : i32
    %sign3A_58 = arith.cmpi slt, %arg1, %sign3A_57 : i32
    %sign3A_59 = arith.extui %sign3A_58 : i1 to i32
    %sign3A_60 = arith.subi %sign3A_56, %sign3A_59 : i32
    %sign3A_61 = arith.constant 0 : i32
    %sign3A_62 = arith.cmpi sgt, %jit3A_52, %sign3A_61 : i32
    %sign3A_63 = arith.extui %sign3A_62 : i1 to i32
    %sign3A_64 = arith.constant 0 : i32
    %sign3A_65 = arith.cmpi slt, %jit3A_52, %sign3A_64 : i32
    %sign3A_66 = arith.extui %sign3A_65 : i1 to i32
    %sign3A_67 = arith.subi %sign3A_63, %sign3A_66 : i32
    %ne3A_68 = arith.cmpi ne, %sign3A_60, %sign3A_67 : i32
    %rem3A_69 = arith.remsi %arg1, %jit3A_52 : i32
    %ne3A_70 = arith.constant 0 : i32
    %ne3A_71 = arith.cmpi ne, %rem3A_69, %ne3A_70 : i32
    %and3A_72 = arith.andi %ne3A_68, %ne3A_71 : i1
    %sub3A_73 = arith.constant 1 : i32
    %sub3A_74 = arith.subi %div3A_53, %sub3A_73 : i32
    %select_n3A_75 = arith.select %and3A_72, %sub3A_74, %div3A_53 : i32
    %broadcast_in_dim3A_76 = arith.constant 0 : i32
    %broadcast_in_dim3A_77 = vector.broadcast %broadcast_in_dim3A_76 : i32 to vector<16xi32>
    %mul3A_78 = arith.constant 4 : i32
    %mul3A_79 = arith.muli %select_n3A_75, %mul3A_78 : i32
    %add3A_80 = arith.constant 0 : i32
    %add3A_81 = arith.addi %mul3A_79, %add3A_80 : i32
    "tpu.region"() ({
      %run_scoped3A = tpu.sem_alloc : memref<!tpu.dma_semaphore, #tpu.memory_space<semaphore_mem>>
      %dma_start3A_148 = arith.constant 0 : i32
      %dma_start3A_149 = tpu.memref_slice %arg11[%add3A_81, %dma_start3A_148] : memref<16x16xi32, #tpu.memory_space<vmem_shared>> -> memref<1x16xi32, #tpu.memory_space<vmem_shared>>
      %dma_start3A_150 = tpu.memref_squeeze %dma_start3A_149 : memref<1x16xi32, #tpu.memory_space<vmem_shared>> -> memref<16xi32, #tpu.memory_space<vmem_shared>>
      %dma_start3A_151 = arith.constant 0 : i32
      %dma_start3A_152 = tpu.memref_slice %arg11[%add3A_81, %dma_start3A_151] : memref<16x16xi32, #tpu.memory_space<vmem_shared>> -> memref<1x16xi32, #tpu.memory_space<vmem_shared>>
      %dma_start3A_153 = tpu.memref_squeeze %dma_start3A_152 : memref<1x16xi32, #tpu.memory_space<vmem_shared>> -> memref<16xi32, #tpu.memory_space<vmem_shared>>
      tpu.enqueue_dma source(%dma_start3A_153 : memref<16xi32, #tpu.memory_space<vmem_shared>>) target(%arg9 : memref<16xi32, #tpu.memory_space<vmem>>) target_semaphore(%run_scoped3A : memref<!tpu.dma_semaphore, #tpu.memory_space<semaphore_mem>>)
      %dma_wait3A_154 = arith.constant 0 : i32
      %dma_wait3A_155 = tpu.memref_slice %arg11[%add3A_81, %dma_wait3A_154] : memref<16x16xi32, #tpu.memory_space<vmem_shared>> -> memref<1x16xi32, #tpu.memory_space<vmem_shared>>
      %dma_wait3A_156 = tpu.memref_squeeze %dma_wait3A_155 : memref<1x16xi32, #tpu.memory_space<vmem_shared>> -> memref<16xi32, #tpu.memory_space<vmem_shared>>
      %dma_wait3A_157 = arith.constant 0 : i32
      %dma_wait3A_158 = tpu.memref_slice %arg11[%add3A_81, %dma_wait3A_157] : memref<16x16xi32, #tpu.memory_space<vmem_shared>> -> memref<1x16xi32, #tpu.memory_space<vmem_shared>>
      %dma_wait3A_159 = tpu.memref_squeeze %dma_wait3A_158 : memref<1x16xi32, #tpu.memory_space<vmem_shared>> -> memref<16xi32, #tpu.memory_space<vmem_shared>>
      tpu.wait_dma2 semaphore(%run_scoped3A : memref<!tpu.dma_semaphore, #tpu.memory_space<semaphore_mem>>) src(%dma_wait3A_159 : memref<16xi32, #tpu.memory_space<vmem_shared>>) dst(%arg9 : memref<16xi32, #tpu.memory_space<vmem>>)
      tpu.yield
    }) : () -> ()
    %get3A = arith.constant 0 : index
    %get3A_82 = tpu.vector_load %arg9[%get3A] {strides = array<i32>} : memref<16xi32, #tpu.memory_space<vmem>>, vector<16xi32>,
    %broadcast_in_dim3A_83 = arith.constant 0 : i32
    %broadcast_in_dim3A_84 = vector.broadcast %broadcast_in_dim3A_83 : i32 to vector<16xi32>
    %add3A_85 = arith.constant 0 : i32
    %add3A_86 = vector.broadcast %add3A_85 : i32 to vector<16xi32>
    %add3A_87 = arith.addi %broadcast_in_dim3A_84, %add3A_86 : vector<16xi32>
    %lt3A_88 = vector.broadcast %select_n3A_30 : i32 to vector<16xi32>
    %lt3A_89 = arith.cmpi slt, %add3A_87, %lt3A_88 : vector<16xi32>
    %jit3A_90 = arith.constant 0 : i32
    %broadcast_in_dim3A_91 = vector.broadcast %jit3A_90 : i32 to vector<16xi32>
    %select_n3A_92 = arith.select %lt3A_89, %get3A_82, %broadcast_in_dim3A_91 : vector<16xi1>, vector<16xi32>
    %add3A_93 = arith.addi %broadcast_in_dim3A_77, %select_n3A_92 : vector<16xi32>
    %mul3A_94 = arith.constant 4 : i32
    %mul3A_95 = arith.muli %select_n3A_75, %mul3A_94 : i32
    %add3A_96 = arith.constant 1 : i32
    %add3A_97 = arith.addi %mul3A_95, %add3A_96 : i32
    "tpu.region"() ({
      %run_scoped3A = tpu.sem_alloc : memref<!tpu.dma_semaphore, #tpu.memory_space<semaphore_mem>>
      %dma_start3A_148 = arith.constant 0 : i32
      %dma_start3A_149 = tpu.memref_slice %arg11[%add3A_97, %dma_start3A_148] : memref<16x16xi32, #tpu.memory_space<vmem_shared>> -> memref<1x16xi32, #tpu.memory_space<vmem_shared>>
      %dma_start3A_150 = tpu.memref_squeeze %dma_start3A_149 : memref<1x16xi32, #tpu.memory_space<vmem_shared>> -> memref<16xi32, #tpu.memory_space<vmem_shared>>
      %dma_start3A_151 = arith.constant 0 : i32
      %dma_start3A_152 = tpu.memref_slice %arg11[%add3A_97, %dma_start3A_151] : memref<16x16xi32, #tpu.memory_space<vmem_shared>> -> memref<1x16xi32, #tpu.memory_space<vmem_shared>>
      %dma_start3A_153 = tpu.memref_squeeze %dma_start3A_152 : memref<1x16xi32, #tpu.memory_space<vmem_shared>> -> memref<16xi32, #tpu.memory_space<vmem_shared>>
      tpu.enqueue_dma source(%dma_start3A_153 : memref<16xi32, #tpu.memory_space<vmem_shared>>) target(%arg9 : memref<16xi32, #tpu.memory_space<vmem>>) target_semaphore(%run_scoped3A : memref<!tpu.dma_semaphore, #tpu.memory_space<semaphore_mem>>)
      %dma_wait3A_154 = arith.constant 0 : i32
      %dma_wait3A_155 = tpu.memref_slice %arg11[%add3A_97, %dma_wait3A_154] : memref<16x16xi32, #tpu.memory_space<vmem_shared>> -> memref<1x16xi32, #tpu.memory_space<vmem_shared>>
      %dma_wait3A_156 = tpu.memref_squeeze %dma_wait3A_155 : memref<1x16xi32, #tpu.memory_space<vmem_shared>> -> memref<16xi32, #tpu.memory_space<vmem_shared>>
      %dma_wait3A_157 = arith.constant 0 : i32
      %dma_wait3A_158 = tpu.memref_slice %arg11[%add3A_97, %dma_wait3A_157] : memref<16x16xi32, #tpu.memory_space<vmem_shared>> -> memref<1x16xi32, #tpu.memory_space<vmem_shared>>
      %dma_wait3A_159 = tpu.memref_squeeze %dma_wait3A_158 : memref<1x16xi32, #tpu.memory_space<vmem_shared>> -> memref<16xi32, #tpu.memory_space<vmem_shared>>
      tpu.wait_dma2 semaphore(%run_scoped3A : memref<!tpu.dma_semaphore, #tpu.memory_space<semaphore_mem>>) src(%dma_wait3A_159 : memref<16xi32, #tpu.memory_space<vmem_shared>>) dst(%arg9 : memref<16xi32, #tpu.memory_space<vmem>>)
      tpu.yield
    }) : () -> ()
    %get3A_98 = arith.constant 0 : index
    %get3A_99 = tpu.vector_load %arg9[%get3A_98] {strides = array<i32>} : memref<16xi32, #tpu.memory_space<vmem>>, vector<16xi32>,
    %broadcast_in_dim3A_100 = arith.constant 0 : i32
    %broadcast_in_dim3A_101 = vector.broadcast %broadcast_in_dim3A_100 : i32 to vector<16xi32>
    %add3A_102 = arith.constant 1 : i32
    %add3A_103 = vector.broadcast %add3A_102 : i32 to vector<16xi32>
    %add3A_104 = arith.addi %broadcast_in_dim3A_101, %add3A_103 : vector<16xi32>
    %lt3A_105 = vector.broadcast %select_n3A_30 : i32 to vector<16xi32>
    %lt3A_106 = arith.cmpi slt, %add3A_104, %lt3A_105 : vector<16xi32>
    %jit3A_107 = arith.constant 0 : i32
    %broadcast_in_dim3A_108 = vector.broadcast %jit3A_107 : i32 to vector<16xi32>
    %select_n3A_109 = arith.select %lt3A_106, %get3A_99, %broadcast_in_dim3A_108 : vector<16xi1>, vector<16xi32>
    %add3A_110 = arith.addi %add3A_93, %select_n3A_109 : vector<16xi32>
    %mul3A_111 = arith.constant 4 : i32
    %mul3A_112 = arith.muli %select_n3A_75, %mul3A_111 : i32
    %add3A_113 = arith.constant 2 : i32
    %add3A_114 = arith.addi %mul3A_112, %add3A_113 : i32
    "tpu.region"() ({
      %run_scoped3A = tpu.sem_alloc : memref<!tpu.dma_semaphore, #tpu.memory_space<semaphore_mem>>
      %dma_start3A_148 = arith.constant 0 : i32
      %dma_start3A_149 = tpu.memref_slice %arg11[%add3A_114, %dma_start3A_148] : memref<16x16xi32, #tpu.memory_space<vmem_shared>> -> memref<1x16xi32, #tpu.memory_space<vmem_shared>>
      %dma_start3A_150 = tpu.memref_squeeze %dma_start3A_149 : memref<1x16xi32, #tpu.memory_space<vmem_shared>> -> memref<16xi32, #tpu.memory_space<vmem_shared>>
      %dma_start3A_151 = arith.constant 0 : i32
      %dma_start3A_152 = tpu.memref_slice %arg11[%add3A_114, %dma_start3A_151] : memref<16x16xi32, #tpu.memory_space<vmem_shared>> -> memref<1x16xi32, #tpu.memory_space<vmem_shared>>
      %dma_start3A_153 = tpu.memref_squeeze %dma_start3A_152 : memref<1x16xi32, #tpu.memory_space<vmem_shared>> -> memref<16xi32, #tpu.memory_space<vmem_shared>>
      tpu.enqueue_dma source(%dma_start3A_153 : memref<16xi32, #tpu.memory_space<vmem_shared>>) target(%arg9 : memref<16xi32, #tpu.memory_space<vmem>>) target_semaphore(%run_scoped3A : memref<!tpu.dma_semaphore, #tpu.memory_space<semaphore_mem>>)
      %dma_wait3A_154 = arith.constant 0 : i32
      %dma_wait3A_155 = tpu.memref_slice %arg11[%add3A_114, %dma_wait3A_154] : memref<16x16xi32, #tpu.memory_space<vmem_shared>> -> memref<1x16xi32, #tpu.memory_space<vmem_shared>>
      %dma_wait3A_156 = tpu.memref_squeeze %dma_wait3A_155 : memref<1x16xi32, #tpu.memory_space<vmem_shared>> -> memref<16xi32, #tpu.memory_space<vmem_shared>>
      %dma_wait3A_157 = arith.constant 0 : i32
      %dma_wait3A_158 = tpu.memref_slice %arg11[%add3A_114, %dma_wait3A_157] : memref<16x16xi32, #tpu.memory_space<vmem_shared>> -> memref<1x16xi32, #tpu.memory_space<vmem_shared>>
      %dma_wait3A_159 = tpu.memref_squeeze %dma_wait3A_158 : memref<1x16xi32, #tpu.memory_space<vmem_shared>> -> memref<16xi32, #tpu.memory_space<vmem_shared>>
      tpu.wait_dma2 semaphore(%run_scoped3A : memref<!tpu.dma_semaphore, #tpu.memory_space<semaphore_mem>>) src(%dma_wait3A_159 : memref<16xi32, #tpu.memory_space<vmem_shared>>) dst(%arg9 : memref<16xi32, #tpu.memory_space<vmem>>)
      tpu.yield
    }) : () -> ()
    %get3A_115 = arith.constant 0 : index
    %get3A_116 = tpu.vector_load %arg9[%get3A_115] {strides = array<i32>} : memref<16xi32, #tpu.memory_space<vmem>>, vector<16xi32>,
    %broadcast_in_dim3A_117 = arith.constant 0 : i32
    %broadcast_in_dim3A_118 = vector.broadcast %broadcast_in_dim3A_117 : i32 to vector<16xi32>
    %add3A_119 = arith.constant 2 : i32
    %add3A_120 = vector.broadcast %add3A_119 : i32 to vector<16xi32>
    %add3A_121 = arith.addi %broadcast_in_dim3A_118, %add3A_120 : vector<16xi32>
    %lt3A_122 = vector.broadcast %select_n3A_30 : i32 to vector<16xi32>
    %lt3A_123 = arith.cmpi slt, %add3A_121, %lt3A_122 : vector<16xi32>
    %jit3A_124 = arith.constant 0 : i32
    %broadcast_in_dim3A_125 = vector.broadcast %jit3A_124 : i32 to vector<16xi32>
    %select_n3A_126 = arith.select %lt3A_123, %get3A_116, %broadcast_in_dim3A_125 : vector<16xi1>, vector<16xi32>
    %add3A_127 = arith.addi %add3A_110, %select_n3A_126 : vector<16xi32>
    %dma_wait3A = tpu.memref_slice %arg4[%mul3A_34] : memref<2095104xf32, #tpu.memory_space<hbm>> -> memref<65472xf32, #tpu.memory_space<hbm>>
    %dma_wait3A_128 = tpu.memref_slice %arg4[%mul3A_34] : memref<2095104xf32, #tpu.memory_space<hbm>> -> memref<65472xf32, #tpu.memory_space<hbm>>
    tpu.wait_dma2 semaphore(%arg12 : memref<!tpu.dma_semaphore, #tpu.memory_space<semaphore_mem>>) src(%dma_wait3A_128 : memref<65472xf32, #tpu.memory_space<hbm>>) dst(%arg7 : memref<65472xf32, #tpu.memory_space<vmem>>)
    %broadcast_in_dim3A_129 = arith.constant 0.000000e+00 : f32
    %broadcast_in_dim3A_130 = vector.broadcast %broadcast_in_dim3A_129 : f32 to vector<16xf32>
    %scan3A_131 = arith.constant 0 : i32
    %scan3A_132 = arith.constant 0 : i32
    %scan3A_133 = arith.constant 1023 : i32
    %scan3A_134 = arith.addi %scan3A_132, %scan3A_133 : i32
    %scan3A_135 = arith.constant 1 : i32
    %scan3A_136:2 = scf.for %scan3A_148 = %scan3A_132 to %scan3A_134 step %scan3A_135 iter_args(%scan3A_149 = %scan3A_131, %scan3A_150 = %broadcast_in_dim3A_130) -> (i32, vector<16xf32>)  : i32 {
      %mul3A_151 = arith.constant 16 : i32
      %mul3A_152 = arith.muli %scan3A_148, %mul3A_151 : i32
      %get3A_153 = arith.index_cast %mul3A_152 : i32 to index
      %get3A_154 = tpu.vector_load %arg6[%get3A_153] {strides = array<i32>} : memref<16368xi32, #tpu.memory_space<vmem>>, vector<16xi32>,
      %eq3A_155 = arith.constant 1 : i32
      %eq3A_156 = vector.broadcast %eq3A_155 : i32 to vector<16xi32>
      %eq3A_157 = arith.cmpi eq, %get3A_154, %eq3A_156 : vector<16xi32>
      %convert_element_type3A_158 = arith.extui %eq3A_157 : vector<16xi1> to vector<16xi32>
      %reduce_sum3A = arith.constant true
      %reduce_sum3A_159 = vector.broadcast %reduce_sum3A : i1 to vector<16xi1>
      %reduce_sum3A_160 = tpu.scan <sum>, %convert_element_type3A_158 masked %reduce_sum3A_159 : vector<16xi32>, vector<16xi1> -> vector<16xi32>
      %reduce_sum3A_161 = vector.extract %reduce_sum3A_160[15] : i32 from vector<16xi32>
      %gt3A = arith.constant 0 : i32
      %gt3A_162 = arith.cmpi sgt, %reduce_sum3A_161, %gt3A : i32
      %convert_element_type3A_163 = arith.extui %gt3A_162 : i1 to i32
      %cond3A = arith.constant 0 : i32
      %cond3A_164 = arith.constant 0 : i32
      %cond3A_165 = arith.cmpi ne, %convert_element_type3A_163, %cond3A_164 : i32
      %cond3A_166 = scf.if %cond3A_165 -> (vector<16xf32>) {
        %broadcast_in_dim3A_168 = arith.constant true
        %broadcast_in_dim3A_169 = vector.broadcast %broadcast_in_dim3A_168 : i1 to vector<16xi1>
        %masked_cumsum3A = tpu.scan <sum>, %convert_element_type3A_158 masked %broadcast_in_dim3A_169 : vector<16xi32>, vector<16xi1> -> vector<16xi32>
        %add3A_170 = vector.broadcast %scan3A_149 : i32 to vector<16xi32>
        %add3A_171 = arith.addi %add3A_127, %add3A_170 : vector<16xi32>
        %add3A_172 = arith.addi %add3A_171, %masked_cumsum3A : vector<16xi32>
        %sub3A_173 = arith.constant 1 : i32
        %sub3A_174 = vector.broadcast %sub3A_173 : i32 to vector<16xi32>
        %sub3A_175 = arith.subi %add3A_172, %sub3A_174 : vector<16xi32>
        %jit3A_176 = arith.constant 0 : i32
        %jit3A_177 = arith.constant 511 : i32
        %max3A = vector.broadcast %jit3A_176 : i32 to vector<16xi32>
        %max3A_178 = arith.maxsi %max3A, %sub3A_175 : vector<16xi32>
        %min3A = vector.broadcast %jit3A_177 : i32 to vector<16xi32>
        %min3A_179 = arith.minsi %min3A, %max3A_178 : vector<16xi32>
        %mul3A_180 = arith.constant 64 : i32
        %mul3A_181 = arith.muli %scan3A_148, %mul3A_180 : i32
        %mul3A_182 = arith.constant 4 : i32
        %mul3A_183 = vector.broadcast %mul3A_182 : i32 to vector<16xi32>
        %mul3A_184 = arith.muli %iota3A, %mul3A_183 : vector<16xi32>
        %add3A_185 = vector.broadcast %mul3A_181 : i32 to vector<16xi32>
        %add3A_186 = arith.addi %add3A_185, %mul3A_184 : vector<16xi32>
        %broadcast_in_dim3A_187 = arith.constant 0.000000e+00 : f32
        %broadcast_in_dim3A_188 = vector.broadcast %broadcast_in_dim3A_187 : f32 to vector<16xf32>
        %mul3A_189 = arith.constant 4 : i32
        %mul3A_190 = vector.broadcast %mul3A_189 : i32 to vector<16xi32>
        %mul3A_191 = arith.muli %min3A_179, %mul3A_190 : vector<16xi32>
        %add3A_192 = arith.constant 0 : i32
        %add3A_193 = vector.broadcast %add3A_192 : i32 to vector<16xi32>
        %add3A_194 = arith.addi %mul3A_191, %add3A_193 : vector<16xi32>
        %gather3A = tpu.vector_load_idx %arg8[%add3A_194] : memref<2048xf32, #tpu.memory_space<vmem>>[vector<16xi32>], vector<16xf32>,
        %add3A_195 = arith.constant 0 : i32
        %add3A_196 = vector.broadcast %add3A_195 : i32 to vector<16xi32>
        %add3A_197 = arith.addi %add3A_186, %add3A_196 : vector<16xi32>
        %gather3A_198 = tpu.vector_load_idx %arg7[%add3A_197] : memref<65472xf32, #tpu.memory_space<vmem>>[vector<16xi32>], vector<16xf32>,
        %sub3A_199 = arith.subf %gather3A, %gather3A_198 : vector<16xf32>
        %abs3A = math.absf %sub3A_199 : vector<16xf32>
        %lt3A_200 = arith.constant 1.000000e+00 : f32
        %lt3A_201 = vector.broadcast %lt3A_200 : f32 to vector<16xf32>
        %lt3A_202 = arith.cmpf olt, %abs3A, %lt3A_201 : vector<16xf32>
        %mul3A_203 = arith.constant 5.000000e-01 : f32
        %mul3A_204 = vector.broadcast %mul3A_203 : f32 to vector<16xf32>
        %mul3A_205 = arith.mulf %mul3A_204, %abs3A : vector<16xf32>
        %mul3A_206 = arith.mulf %mul3A_205, %abs3A : vector<16xf32>
        %sub3A_207 = arith.constant 5.000000e-01 : f32
        %sub3A_208 = vector.broadcast %sub3A_207 : f32 to vector<16xf32>
        %sub3A_209 = arith.subf %abs3A, %sub3A_208 : vector<16xf32>
        %select_n3A_210 = arith.select %lt3A_202, %mul3A_206, %sub3A_209 : vector<16xi1>, vector<16xf32>
        %add3A_211 = arith.addf %broadcast_in_dim3A_188, %select_n3A_210 : vector<16xf32>
        %mul3A_212 = arith.constant 4 : i32
        %mul3A_213 = vector.broadcast %mul3A_212 : i32 to vector<16xi32>
        %mul3A_214 = arith.muli %min3A_179, %mul3A_213 : vector<16xi32>
        %add3A_215 = arith.constant 1 : i32
        %add3A_216 = vector.broadcast %add3A_215 : i32 to vector<16xi32>
        %add3A_217 = arith.addi %mul3A_214, %add3A_216 : vector<16xi32>
        %gather3A_218 = tpu.vector_load_idx %arg8[%add3A_217] : memref<2048xf32, #tpu.memory_space<vmem>>[vector<16xi32>], vector<16xf32>,
        %add3A_219 = arith.constant 1 : i32
        %add3A_220 = vector.broadcast %add3A_219 : i32 to vector<16xi32>
        %add3A_221 = arith.addi %add3A_186, %add3A_220 : vector<16xi32>
        %gather3A_222 = tpu.vector_load_idx %arg7[%add3A_221] : memref<65472xf32, #tpu.memory_space<vmem>>[vector<16xi32>], vector<16xf32>,
        %sub3A_223 = arith.subf %gather3A_218, %gather3A_222 : vector<16xf32>
        %abs3A_224 = math.absf %sub3A_223 : vector<16xf32>
        %lt3A_225 = arith.constant 1.000000e+00 : f32
        %lt3A_226 = vector.broadcast %lt3A_225 : f32 to vector<16xf32>
        %lt3A_227 = arith.cmpf olt, %abs3A_224, %lt3A_226 : vector<16xf32>
        %mul3A_228 = arith.constant 5.000000e-01 : f32
        %mul3A_229 = vector.broadcast %mul3A_228 : f32 to vector<16xf32>
        %mul3A_230 = arith.mulf %mul3A_229, %abs3A_224 : vector<16xf32>
        %mul3A_231 = arith.mulf %mul3A_230, %abs3A_224 : vector<16xf32>
        %sub3A_232 = arith.constant 5.000000e-01 : f32
        %sub3A_233 = vector.broadcast %sub3A_232 : f32 to vector<16xf32>
        %sub3A_234 = arith.subf %abs3A_224, %sub3A_233 : vector<16xf32>
        %select_n3A_235 = arith.select %lt3A_227, %mul3A_231, %sub3A_234 : vector<16xi1>, vector<16xf32>
        %add3A_236 = arith.addf %add3A_211, %select_n3A_235 : vector<16xf32>
        %mul3A_237 = arith.constant 4 : i32
        %mul3A_238 = vector.broadcast %mul3A_237 : i32 to vector<16xi32>
        %mul3A_239 = arith.muli %min3A_179, %mul3A_238 : vector<16xi32>
        %add3A_240 = arith.constant 2 : i32
        %add3A_241 = vector.broadcast %add3A_240 : i32 to vector<16xi32>
        %add3A_242 = arith.addi %mul3A_239, %add3A_241 : vector<16xi32>
        %gather3A_243 = tpu.vector_load_idx %arg8[%add3A_242] : memref<2048xf32, #tpu.memory_space<vmem>>[vector<16xi32>], vector<16xf32>,
        %add3A_244 = arith.constant 2 : i32
        %add3A_245 = vector.broadcast %add3A_244 : i32 to vector<16xi32>
        %add3A_246 = arith.addi %add3A_186, %add3A_245 : vector<16xi32>
        %gather3A_247 = tpu.vector_load_idx %arg7[%add3A_246] : memref<65472xf32, #tpu.memory_space<vmem>>[vector<16xi32>], vector<16xf32>,
        %sub3A_248 = arith.subf %gather3A_243, %gather3A_247 : vector<16xf32>
        %abs3A_249 = math.absf %sub3A_248 : vector<16xf32>
        %lt3A_250 = arith.constant 1.000000e+00 : f32
        %lt3A_251 = vector.broadcast %lt3A_250 : f32 to vector<16xf32>
        %lt3A_252 = arith.cmpf olt, %abs3A_249, %lt3A_251 : vector<16xf32>
        %mul3A_253 = arith.constant 5.000000e-01 : f32
        %mul3A_254 = vector.broadcast %mul3A_253 : f32 to vector<16xf32>
        %mul3A_255 = arith.mulf %mul3A_254, %abs3A_249 : vector<16xf32>
        %mul3A_256 = arith.mulf %mul3A_255, %abs3A_249 : vector<16xf32>
        %sub3A_257 = arith.constant 5.000000e-01 : f32
        %sub3A_258 = vector.broadcast %sub3A_257 : f32 to vector<16xf32>
        %sub3A_259 = arith.subf %abs3A_249, %sub3A_258 : vector<16xf32>
        %select_n3A_260 = arith.select %lt3A_252, %mul3A_256, %sub3A_259 : vector<16xi1>, vector<16xf32>
        %add3A_261 = arith.addf %add3A_236, %select_n3A_260 : vector<16xf32>
        %mul3A_262 = arith.constant 4 : i32
        %mul3A_263 = vector.broadcast %mul3A_262 : i32 to vector<16xi32>
        %mul3A_264 = arith.muli %min3A_179, %mul3A_263 : vector<16xi32>
        %add3A_265 = arith.constant 3 : i32
        %add3A_266 = vector.broadcast %add3A_265 : i32 to vector<16xi32>
        %add3A_267 = arith.addi %mul3A_264, %add3A_266 : vector<16xi32>
        %gather3A_268 = tpu.vector_load_idx %arg8[%add3A_267] : memref<2048xf32, #tpu.memory_space<vmem>>[vector<16xi32>], vector<16xf32>,
        %add3A_269 = arith.constant 3 : i32
        %add3A_270 = vector.broadcast %add3A_269 : i32 to vector<16xi32>
        %add3A_271 = arith.addi %add3A_186, %add3A_270 : vector<16xi32>
        %gather3A_272 = tpu.vector_load_idx %arg7[%add3A_271] : memref<65472xf32, #tpu.memory_space<vmem>>[vector<16xi32>], vector<16xf32>,
        %sub3A_273 = arith.subf %gather3A_268, %gather3A_272 : vector<16xf32>
        %abs3A_274 = math.absf %sub3A_273 : vector<16xf32>
        %lt3A_275 = arith.constant 1.000000e+00 : f32
        %lt3A_276 = vector.broadcast %lt3A_275 : f32 to vector<16xf32>
        %lt3A_277 = arith.cmpf olt, %abs3A_274, %lt3A_276 : vector<16xf32>
        %mul3A_278 = arith.constant 5.000000e-01 : f32
        %mul3A_279 = vector.broadcast %mul3A_278 : f32 to vector<16xf32>
        %mul3A_280 = arith.mulf %mul3A_279, %abs3A_274 : vector<16xf32>
        %mul3A_281 = arith.mulf %mul3A_280, %abs3A_274 : vector<16xf32>
        %sub3A_282 = arith.constant 5.000000e-01 : f32
        %sub3A_283 = vector.broadcast %sub3A_282 : f32 to vector<16xf32>
        %sub3A_284 = arith.subf %abs3A_274, %sub3A_283 : vector<16xf32>
        %select_n3A_285 = arith.select %lt3A_277, %mul3A_281, %sub3A_284 : vector<16xi1>, vector<16xf32>
        %add3A_286 = arith.addf %add3A_261, %select_n3A_285 : vector<16xf32>
        %jit3A_287 = arith.constant 0.000000e+00 : f32
        %broadcast_in_dim3A_288 = vector.broadcast %jit3A_287 : f32 to vector<16xf32>
        %select_n3A_289 = arith.select %eq3A_157, %add3A_286, %broadcast_in_dim3A_288 : vector<16xi1>, vector<16xf32>
        %add3A_290 = arith.addf %scan3A_150, %select_n3A_289 : vector<16xf32>
        scf.yield %add3A_290 : vector<16xf32>
      } else {
        scf.yield %scan3A_150 : vector<16xf32>
      }
      %add3A_167 = arith.addi %scan3A_149, %reduce_sum3A_161 : i32
      scf.yield %add3A_167, %cond3A_166 : i32, vector<16xf32>
    }
    %scan3A_137 = arith.constant 1023 : i32
    %swap3A_138 = arith.constant 0 : index
    %swap3A_139 = tpu.vector_load %arg10[%swap3A_138] {strides = array<i32>} : memref<16xf32, #tpu.memory_space<vmem>>, vector<16xf32>,
    tpu.vector_store %arg10[%swap3A_138], %scan3A_136#1 {strides = array<i32>} : memref<16xf32, #tpu.memory_space<vmem>>, vector<16xf32>,
    "tpu.region"() ({
      %run_scoped3A = tpu.sem_alloc : memref<!tpu.dma_semaphore, #tpu.memory_space<semaphore_mem>>
      %dma_start3A_148 = arith.constant 0 : i32
      %dma_start3A_149 = tpu.memref_slice %arg5[%add3A, %dma_start3A_148] : memref<64x16xf32, #tpu.memory_space<hbm>> -> memref<1x16xf32, #tpu.memory_space<hbm>>
      %dma_start3A_150 = tpu.memref_squeeze %dma_start3A_149 : memref<1x16xf32, #tpu.memory_space<hbm>> -> memref<16xf32, #tpu.memory_space<hbm>>
      %dma_start3A_151 = arith.constant 0 : i32
      %dma_start3A_152 = tpu.memref_slice %arg5[%add3A, %dma_start3A_151] : memref<64x16xf32, #tpu.memory_space<hbm>> -> memref<1x16xf32, #tpu.memory_space<hbm>>
      %dma_start3A_153 = tpu.memref_squeeze %dma_start3A_152 : memref<1x16xf32, #tpu.memory_space<hbm>> -> memref<16xf32, #tpu.memory_space<hbm>>
      tpu.enqueue_dma source(%arg10 : memref<16xf32, #tpu.memory_space<vmem>>) target(%dma_start3A_153 : memref<16xf32, #tpu.memory_space<hbm>>) target_semaphore(%run_scoped3A : memref<!tpu.dma_semaphore, #tpu.memory_space<semaphore_mem>>)
      %dma_wait3A_154 = arith.constant 0 : i32
      %dma_wait3A_155 = tpu.memref_slice %arg5[%add3A, %dma_wait3A_154] : memref<64x16xf32, #tpu.memory_space<hbm>> -> memref<1x16xf32, #tpu.memory_space<hbm>>
      %dma_wait3A_156 = tpu.memref_squeeze %dma_wait3A_155 : memref<1x16xf32, #tpu.memory_space<hbm>> -> memref<16xf32, #tpu.memory_space<hbm>>
      %dma_wait3A_157 = arith.constant 0 : i32
      %dma_wait3A_158 = tpu.memref_slice %arg5[%add3A, %dma_wait3A_157] : memref<64x16xf32, #tpu.memory_space<hbm>> -> memref<1x16xf32, #tpu.memory_space<hbm>>
      %dma_wait3A_159 = tpu.memref_squeeze %dma_wait3A_158 : memref<1x16xf32, #tpu.memory_space<hbm>> -> memref<16xf32, #tpu.memory_space<hbm>>
      tpu.wait_dma2 semaphore(%run_scoped3A : memref<!tpu.dma_semaphore, #tpu.memory_space<semaphore_mem>>) src(%arg10 : memref<16xf32, #tpu.memory_space<vmem>>) dst(%dma_wait3A_159 : memref<16xf32, #tpu.memory_space<hbm>>)
      tpu.yield
    }) : () -> ()
    %broadcast_in_dim3A_140 = arith.constant 0.000000e+00 : f32
    %broadcast_in_dim3A_141 = vector.broadcast %broadcast_in_dim3A_140 : f32 to vector<16xf32>
    %convert_element_type3A = arith.sitofp %scan3A_46 : i32 to f32
    %add3A_142 = vector.broadcast %convert_element_type3A : f32 to vector<16xf32>
    %add3A_143 = arith.addf %broadcast_in_dim3A_141, %add3A_142 : vector<16xf32>
    %swap3A_144 = arith.constant 0 : index
    %swap3A_145 = tpu.vector_load %arg10[%swap3A_144] {strides = array<i32>} : memref<16xf32, #tpu.memory_space<vmem>>, vector<16xf32>,
    tpu.vector_store %arg10[%swap3A_144], %add3A_143 {strides = array<i32>} : memref<16xf32, #tpu.memory_space<vmem>>, vector<16xf32>,
    %add3A_146 = arith.constant 32 : i32
    %add3A_147 = arith.addi %add3A_146, %add3A : i32
    "tpu.region"() ({
      %run_scoped3A = tpu.sem_alloc : memref<!tpu.dma_semaphore, #tpu.memory_space<semaphore_mem>>
      %dma_start3A_148 = arith.constant 0 : i32
      %dma_start3A_149 = tpu.memref_slice %arg5[%add3A_147, %dma_start3A_148] : memref<64x16xf32, #tpu.memory_space<hbm>> -> memref<1x16xf32, #tpu.memory_space<hbm>>
      %dma_start3A_150 = tpu.memref_squeeze %dma_start3A_149 : memref<1x16xf32, #tpu.memory_space<hbm>> -> memref<16xf32, #tpu.memory_space<hbm>>
      %dma_start3A_151 = arith.constant 0 : i32
      %dma_start3A_152 = tpu.memref_slice %arg5[%add3A_147, %dma_start3A_151] : memref<64x16xf32, #tpu.memory_space<hbm>> -> memref<1x16xf32, #tpu.memory_space<hbm>>
      %dma_start3A_153 = tpu.memref_squeeze %dma_start3A_152 : memref<1x16xf32, #tpu.memory_space<hbm>> -> memref<16xf32, #tpu.memory_space<hbm>>
      tpu.enqueue_dma source(%arg10 : memref<16xf32, #tpu.memory_space<vmem>>) target(%dma_start3A_153 : memref<16xf32, #tpu.memory_space<hbm>>) target_semaphore(%run_scoped3A : memref<!tpu.dma_semaphore, #tpu.memory_space<semaphore_mem>>)
      %dma_wait3A_154 = arith.constant 0 : i32
      %dma_wait3A_155 = tpu.memref_slice %arg5[%add3A_147, %dma_wait3A_154] : memref<64x16xf32, #tpu.memory_space<hbm>> -> memref<1x16xf32, #tpu.memory_space<hbm>>
      %dma_wait3A_156 = tpu.memref_squeeze %dma_wait3A_155 : memref<1x16xf32, #tpu.memory_space<hbm>> -> memref<16xf32, #tpu.memory_space<hbm>>
      %dma_wait3A_157 = arith.constant 0 : i32
      %dma_wait3A_158 = tpu.memref_slice %arg5[%add3A_147, %dma_wait3A_157] : memref<64x16xf32, #tpu.memory_space<hbm>> -> memref<1x16xf32, #tpu.memory_space<hbm>>
      %dma_wait3A_159 = tpu.memref_squeeze %dma_wait3A_158 : memref<1x16xf32, #tpu.memory_space<hbm>> -> memref<16xf32, #tpu.memory_space<hbm>>
      tpu.wait_dma2 semaphore(%run_scoped3A : memref<!tpu.dma_semaphore, #tpu.memory_space<semaphore_mem>>) src(%arg10 : memref<16xf32, #tpu.memory_space<vmem>>) dst(%dma_wait3A_159 : memref<16xf32, #tpu.memory_space<hbm>>)
      tpu.yield
    }) : () -> ()
    return
  }
}

module attributes {stable_mosaic.version = 14 : i64} {
  func.func @_finish_body(%arg0: memref<64x16xf32, #tpu.memory_space<vmem>>, %arg1: memref<1x1xf32, #tpu.memory_space<vmem>>) attributes {dimension_semantics = [], scalar_prefetch = 0 : i64, scratch_operands = 0 : i64, tpu.core_type = #tpu.core_type<tc>} {
    %get3A = arith.constant 0 : index
    %get3A_0 = arith.constant 0 : index
    %get3A_1 = vector.load %arg0[%get3A, %get3A_0] : memref<64x16xf32, #tpu.memory_space<vmem>>, vector<64x16xf32>
    %slice3A = vector.extract_strided_slice %get3A_1 {offsets = [0, 0], sizes = [32, 16], strides = [1, 1]} : vector<64x16xf32> to vector<32x16xf32>
    %reduce_sum3A = vector.shape_cast %slice3A : vector<32x16xf32> to vector<1x32x16xf32>
    %reduce_sum3A_2 = arith.constant dense<0.000000e+00> : vector<1xf32>
    %reduce_sum3A_3 = vector.multi_reduction <add>, %reduce_sum3A, %reduce_sum3A_2 [1, 2] : vector<1x32x16xf32> to vector<1xf32>
    %reduce_sum3A_4 = vector.shape_cast %reduce_sum3A_3 : vector<1xf32> to vector<1x1x1xf32>
    %reduce_sum3A_5 = vector.extract %reduce_sum3A_4[0, 0, 0] : f32 from vector<1x1x1xf32>
    %slice3A_6 = vector.extract_strided_slice %get3A_1 {offsets = [32, 0], sizes = [32, 16], strides = [1, 1]} : vector<64x16xf32> to vector<32x16xf32>
    %reduce_sum3A_7 = vector.shape_cast %slice3A_6 : vector<32x16xf32> to vector<1x32x16xf32>
    %reduce_sum3A_8 = arith.constant dense<0.000000e+00> : vector<1xf32>
    %reduce_sum3A_9 = vector.multi_reduction <add>, %reduce_sum3A_7, %reduce_sum3A_8 [1, 2] : vector<1x32x16xf32> to vector<1xf32>
    %reduce_sum3A_10 = vector.shape_cast %reduce_sum3A_9 : vector<1xf32> to vector<1x1x1xf32>
    %reduce_sum3A_11 = vector.extract %reduce_sum3A_10[0, 0, 0] : f32 from vector<1x1x1xf32>
    %mul3A = arith.constant 2.500000e-01 : f32
    %mul3A_12 = arith.mulf %reduce_sum3A_11, %mul3A : f32
    %gt3A = arith.constant 0.000000e+00 : f32
    %gt3A_13 = arith.cmpf ogt, %mul3A_12, %gt3A : f32
    %div3A = arith.divf %reduce_sum3A_5, %mul3A_12 : f32
    %jit3A = arith.constant 0.000000e+00 : f32
    %select_n3A = arith.select %gt3A_13, %div3A, %jit3A : f32
    %reshape3A = vector.broadcast %select_n3A : f32 to vector<1x1xf32>
    %swap3A = arith.constant 0 : index
    %swap3A_14 = arith.constant 0 : index
    %swap3A_15 = vector.load %arg1[%swap3A, %swap3A_14] : memref<1x1xf32, #tpu.memory_space<vmem>>, vector<1x1xf32>
    tpu.vector_store %arg1[%swap3A, %swap3A_14], %reshape3A {strides = array<i32>} : memref<1x1xf32, #tpu.memory_space<vmem>>, vector<1x1xf32>,
    return
  }
}

</mosaic_0001>

<sc_bundles>
// kernel: kernel.4.cloned.1.call-start
scs
__scs_entry_jumppad:
0x0: {  	(pc) =	sbr.rel $0x88, $3  }
0x1: {  	(tag) =	ssettag $0x0;
	lr =	simm.s32 $0x1  }
0x2: {  	[smem:$0x3F9E] =	sst lr;
	_ =	strace $0xD0000000  }
0x3: {  	_ = 	snop  }
0x4: {  	_ = 	snop  }
0x5: {  	_ = 	snop  }
0x6: {  	_ = 	snop  }
0x7: {  	_ = 	snop  }
__scs_overlays_trampoline_lowered:
0x8: {  	[smem:$0x3FAD] =	sst s0  }
0x9: {  	[smem:$0x3FAE] =	sst s1  }
0xa: {  	[smem:$0x3FAF] =	sst s2  }
0xb: {  	[smem:$0x3FB0] =	sst s3  }
0xc: {  	[smem:$0x3FB1] =	sst s4  }
0xd: {  	[smem:$0x3FB2] =	sst s5  }
0xe: {  	[smem:$0x3FB3] =	sst s6  }
0xf: {  	[smem:$0x3FB4] =	sst s7  }
0x10: {  	[smem:$0x3FB5] =	sst s8  }
0x11: {  	[smem:$0x3FB6] =	sst s9;
	s0 =	simm.s32 @!p0 $0x0  }
0x12: {  	s1 =	sld [smem:$0x3F9C];
	s0 =	simm.s32 @p0 $0x1  }
0x13: {  	[smem:$0x3FB7] =	sst s0;
	s0 =	simm.s32 @!p1 $0x0  }
0x14: {  	s2 =	sld [smem:$0x3F9B];
	s0 =	simm.s32 @p1 $0x1  }
0x15: {  	[smem:$0x3FB8] =	sst s0;
	s0 =	simm.s32 @!p2 $0x0  }
0x16: {  	s3 =	sld [smem:$0x3FDB];
	s0 =	simm.s32 @p2 $0x1  }
0x17: {  	s4 =	simm.s32 $0x1BF5;
	[smem:$0x3FBA] =	sst s0  }
0x18: {  	s0 =	sld [smem:$0x3F9D];
	_ =	swait.ge [sflag:s4], $0x0  }
0x19: {  	s7 =	sld [smem:$0x3F9E]  }
0x1a: {  	s8 =	sadd.s32 $0xFFFFE003, lr  }
0x1b: {  	s9 =	sadd.s32 $0xFFFFFEF7, lr;
	s5 =	simm.s32 $0xFFFFFFFF;
	p2 =	slt.u32 s8, $0xFFFFF086  }
0x1c: {  	p1 =	slt.u32 s9, $0xF7A;
	s5 =	simm.s32 @!p2 $0x0  }
0x1d: {  	s5 =	simm.s32 @p1 $0x1;
	p0 =	seq.s32 s7, s2  }
0x1e: {  	s7 =	smul.u32 @!p0 $0xF7A, s2;
	p2 =	seq.s32 @!p0 s5, $0x0  }
0x1f: {  	s9 =	smul.u32 $0xF7A, s1;
	s8 =	simm.s32 @!p0 $0x1BF5;
	p2 =	por !p2, p0  }
0x20: {  	[sflag:s8] =	ssyncset.s32 @!p0 $0xFFFFF086;
	s6 =	sadd.s32 @!p0 s3, s7;
	s7 =	simm.s32 @!p0 $0x108  }
0x21: {  	s3 =	sadd.s32 s3, s9;
	s6 =	sadd.s32 @!p0 $0x88, s6;
	s7 =	simm.s32 @p2 $0x1082  }
0x22: {  	[simem:s7], [sflag:s8] =	dma.local @!p0 [hbm:s6], $0xF7A  }
0x23: {  	s9 =	sor.u32 $0xD0000000, s2;
	s6 =	simm.s32 $0x108;
	_ =	swait.ge @!p0 [sflag:s8], $0x0  }
0x24: {  	s3 =	sadd.s32 $0x88, s3;
	s6 =	simm.s32 @!p1 $0x1082;
	[sflag:s4] =	ssyncset.s32 $0xFFFFF086  }
0x25: {  	[simem:s6], [sflag:s4] =	dma.local [hbm:s3], $0xF7A  }
0x26: {  	[smem:$0x3F9E] =	sst s1;
	(tag) =	ssettag s2;
	_ =	strace s9  }
0x27: {  	s1 =	sld [smem:$0x3FAE]  }
0x28: {  	s2 =	sld [smem:$0x3FAF]  }
0x29: {  	s4 =	sld [smem:$0x3FB1]  }
0x2a: {  	p0 =	seq.s32 s5, $0x0;
	s5 =	sld [smem:$0x3FB2]  }
0x2b: {  	s6 =	sld [smem:$0x3FB3]  }
0x2c: {  	s7 =	sld [smem:$0x3FB4]  }
0x2d: {  	s3 =	simm.s32 $0x108;
	s8 =	sld [smem:$0x3FB5]  }
0x2e: {  	s3 =	simm.s32 @!p0 $0x1082;
	s9 =	sld [smem:$0x3FB6]  }
0x2f: {  	lr =	sadd.s32 s0, s3;
	s0 =	sld [smem:$0x3FAD]  }
0x30: {  	s3 =	sld [smem:$0x3FB0]  }
0x31: {  	[smem:$0x3FB9] =	sst s10  }
0x32: {  	s10 =	sld [smem:$0x3FB7];
	_ =	sdelay $0x3  }
0x33: {  	p0 =	seq.s32 s10, $0x1;
	s10 =	sld [smem:$0x3FB9];
	_ =	sdelay $0x3  }
0x34: {  	[smem:$0x3FB9] =	sst s10  }
0x35: {  	s10 =	sld [smem:$0x3FB8];
	_ =	sdelay $0x3  }
0x36: {  	p1 =	seq.s32 s10, $0x1;
	s10 =	sld [smem:$0x3FB9];
	_ =	sdelay $0x3  }
0x37: {  	[smem:$0x3FB9] =	sst s10  }
0x38: {  	s10 =	sld [smem:$0x3FBA]  }
0x39: {  	_ = 	snop;
	(pc) =	sbr.ind lr, $3  }
0x3a: {  	_ = 	snop  }
0x3b: {  	_ = 	snop  }
0x3c: {  	p2 =	seq.s32 s10, $0x1;
	s10 =	sld [smem:$0x3FB9]  }
0x3d: {  	_ =	shalt  }
0x3e: {  	_ =	shalt  }
0x3f: {  	_ =	shalt  }
0x40: {  	_ =	shalt  }
0x41: {  	_ =	shalt  }
0x42: {  	_ =	shalt  }
0x43: {  	_ =	shalt  }
0x44: {  	_ =	shalt  }
0x45: {  	_ =	shalt  }
0x46: {  	_ =	shalt  }
0x47: {  	_ =	shalt  }
0x48: {  	_ =	shalt  }
0x49: {  	_ =	shalt  }
0x4a: {  	_ =	shalt  }
0x4b: {  	_ =	shalt  }
0x4c: {  	_ =	shalt  }
0x4d: {  	_ =	shalt  }
0x4e: {  	_ =	shalt  }
0x4f: {  	_ =	shalt  }
0x50: {  	_ =	shalt  }
0x51: {  	_ =	shalt  }
0x52: {  	_ =	shalt  }
0x53: {  	_ =	shalt  }
0x54: {  	_ =	shalt  }
0x55: {  	_ =	shalt  }
0x56: {  	_ =	shalt  }
0x57: {  	_ =	shalt  }
0x58: {  	_ =	shalt  }
0x59: {  	_ =	shalt  }
0x5a: {  	_ =	shalt  }
0x5b: {  	_ =	shalt  }
0x5c: {  	_ =	shalt  }
0x5d: {  	_ =	shalt  }
0x5e: {  	_ =	shalt  }
0x5f: {  	_ =	shalt  }
0x60: {  	_ =	shalt  }
0x61: {  	_ =	shalt  }
0x62: {  	_ =	shalt  }
0x63: {  	_ =	shalt  }
0x64: {  	_ =	shalt  }
0x65: {  	_ =	shalt  }
0x66: {  	_ =	shalt  }
0x67: {  	_ =	shalt  }
0x68: {  	_ =	shalt  }
0x69: {  	_ =	shalt  }
0x6a: {  	_ =	shalt  }
0x6b: {  	_ =	shalt  }
0x6c: {  	_ =	shalt  }
0x6d: {  	_ =	shalt  }
0x6e: {  	_ =	shalt  }
0x6f: {  	_ =	shalt  }
0x70: {  	_ =	shalt  }
0x71: {  	_ =	shalt  }
0x72: {  	_ =	shalt  }
0x73: {  	_ =	shalt  }
0x74: {  	_ =	shalt  }
0x75: {  	_ =	shalt  }
0x76: {  	_ =	shalt  }
0x77: {  	_ =	shalt  }
0x78: {  	_ =	shalt  }
0x79: {  	_ =	shalt  }
0x7a: {  	_ =	shalt  }
0x7b: {  	_ =	shalt  }
0x7c: {  	_ =	shalt  }
0x7d: {  	_ =	shalt  }
0x7e: {  	_ =	shalt  }
0x7f: {  	_ =	shalt  }
0x80: {  	_ =	shalt  }
0x81: {  	_ =	shalt  }
0x82: {  	_ =	shalt  }
0x83: {  	_ =	shalt  }
0x84: {  	_ =	shalt  }
0x85: {  	_ =	shalt  }
0x86: {  	_ =	shalt  }
0x87: {  	_ =	shalt  }
.Lfunc_end0:
.L_simem_size_0:
called_computation_lowered:
.L_overlay_start_0:
0x88: {  	s2 =	sld [smem:$0x3FD9]  }
0x89: {  	s3 =	sld [smem:$0x3FFE];
	_ =	sdelay $0x1  }
0x8a: {  	s1 =	srdreg.scid  }
0x8b: {  	s0 =	sand.u32 $0x1, s1  }
0x8c: {  	s16 =	sshll.u32 s0, $0xA;
	s2 =	sadd.s32 s3, s2  }
0x8d: {  	s2 =	sadd.s32 s2, s16  }
0x8e: {  	[smem:$0x3FC5] =	sst s2  }
0x8f: {  	_ = 	snop  }
0x90: {  	(tm) =	ssettm $0x1  }
0x91: {  	s17 =	sld [smem:$0x3FFB];
	_ =	sdelay $0x3  }
0x92: {  	_ =	strace s17  }
0x93: {  	s2 =	sld [smem:$0x3FFC];
	_ =	sdelay $0x3  }
0x94: {  	_ =	strace s2  }
0x95: {  	s2 =	sld [smem:$0x3FFD];
	_ =	sdelay $0x3  }
0x96: {  	_ =	strace s2  }
0x97: {  	_ =	strace $0x8FFFFFFF  }
0x98: {  	s18 =	sld [smem:$0x3FDB];
	_ =	sdelay $0x1  }
0x99: {  	s19 =	simm.s32 $_scs_section_size  }
0x9a: {  	s4 =	simm.s32 $_size__tile_overlayer_lowered;
	s5 =	simm.s32 $_tile_overlayer_lowered  }
0x9b: {  	s22 =	simm.s32 $0x1BFF;
	s21 =	sshll.u32 s5, $0x1;
	s2 =	sadd.s32 s19, s18  }
0x9c: {  	s6 =	simm.s32 $0x0;
	s20 =	sshll.u32 s4, $0x1;
	s4 =	sadd.s32 s21, s2  }
0x9d: {  	[timem:s6], [sflag:s22] =	dma.local [hbm:s4], s20  }
0x9e: {  	_ =	swait.ge [sflag:s22], s20  }
0x9f: {  	s3 =	ssub.s32 $0x0, s20;
	[sflag:s22] =	ssyncset.done $0x0  }
0xa0: {  	[sflag:s22] =	ssyncadd.s32 s3;
	_ =	sdelay $0x1  }
0xa1: {  	s23 =	simm.s32 $0x1B8B  }
0xa2: {  	_ =	swait.ge [sflag:s23], $0x1  }
0xa3: {  	[sflag:s23] =	ssyncset.done $0x0  }
0xa4: {  	s25 =	simm.s32 $0x1B8E;
	s24 =	sld [smem:$0x3FFE];
	[sflag:s23] =	ssyncadd.s32 $0xFFFFFFFF  }
0xa5: {  	s26 =	simm.s32 $execute0_lowered;
	[smem:$0x3FD2] =	sst s25  }
0xa6: {  	s4 =	sshll.u32 s26, $0x1;
	_ =	strace $0x80000046;
	[dreg:$0x1] =	wrdreg $0xFFFFFFFF  }
0xa7: {  	s28 =	simm.s32 $_size_execute0_lowered;
	s2 =	sadd.s32 s2, s4;
	[dreg:$0x0] =	wrdreg $0x0  }
0xa8: {  	s4 =	sshll.u32 s28, $0x1;
	[dreg:$0x2] =	wrdreg s2  }
0xa9: {  	[dreg:$0x3] =	wrdreg s4  }
0xaa: {  	[dreg:$0x4] =	wrdreg $0xC0  }
0xab: {  	_ =	task [dreg:s6], $0x5FFFF  }
0xac: {  	[dreg:$0x1] =	wrdreg $0xFFFFFFFF  }
0xad: {  	[dreg:$0x0] =	wrdreg $0x60  }
0xae: {  	[dreg:$0x2] =	wrdreg s24  }
0xaf: {  	[dreg:$0x3] =	wrdreg $0x149000  }
0xb0: {  	[dreg:$0x4] =	wrdreg $0x9  }
0xb1: {  	_ =	task.clear_ibuf [dreg:s6], $0x5FFFF;
	_ =	strace $0x90000046  }
0xb2: {  	s29 =	simm.s32 $0x9;
	_ =	strace $0x80000048  }
0xb3: {  	_ =	swait.ge [sflag:s29], $0x1  }
0xb4: {  	[sflag:s29] =	ssyncadd.s32 $0xFFFFFFFF  }
0xb5: {  	_ =	strace $0x90000048  }
0xb6: {  	_ =	sfence  }
0xb7: {  	s30 =	sld [smem:$0x0];
	_ =	sdelay $0x2  }
0xb8: {  	s31 =	sshll.u32 s1, $0xD;
	s1 =	sshrl.u32 s1, $0x2  }
0xb9: {  	s3 =	sand.u32 $0x4000, s31;
	s1 =	sadd.s32 s1, s30  }
0xba: {  	s0 =	sor.u32 s3, s0;
	s1 =	sshll.u32 s1, $0x11  }
0xbb: {  	s0 =	sor.u32 s1, s0  }
0xbc: {  	s0 =	sadd.s32 $0x8F2B, s0  }
0xbd: {  	[sflag:s0] =	ssyncadd.remote.s32 $0x1  }
0xbe: {  	_ =	sfence.sel $0xFFFF  }
0xbf: {  	[dreg:$0x0] =	wrdreg $0xFFFFFFFF;
	(pc) =	sbr.abs _section_cstart, $3  }
0xc0: {  	[dreg:$0x1] =	wrdreg $0xFFFFFFFF  }
0xc1: {  	_ =	task.clear_ibuf [dreg:s6], $0x2FFFF;
	_ =	strace $0x9FFFFFFF  }
0xc2: {  	(tm) =	ssettm $0x7FFFFFFF  }
0xc3: {  	_ =	shalt  }
tec
execute0_lowered:
.L_overlay_start_1:
0x0: {  	(tag) =	ssettag $0x1  }
0x1: {  	s6 =	rddreg [dreg:$0x0]  }
0x2: {  	s0 =	srdreg.scid;
	s8 =	rddreg [dreg:$0x1];
	s3 =	simm.s32 $0x1  }
0x3: {  	s2 =	simm.s32 $0x0;
	s15 =	simm.s32 $0x2;
	s16 =	simm.s32 $0x14000  }
0x4: {  	s17 =	simm.s32 $0x14800;
	s18 =	simm.s32 $0x14880;
	s19 =	simm.s32 $0x0  }
0x5: {  	s4 =	sand.u32 $0x1, s0;
	s0 =	stileid.u32;
	[smem:$0x7FF] =	sst s2  }
0x6: {  	s1 =	sshll.u32 s4, $0x4;
	s14 =	sand.u32 $0x3, s0;
	s11 =	sshll.u32 s0, $0x4  }
0x7: {  	s4 =	ssub.s32 $0x2, s4;
	s30 =	sshll.u32 s0, $0x7;
	s5 =	sor.u32 s0, s1  }
0x8: {  	p1 =	sne.s32 s14, $0x0;
	s1 =	rddreg [dreg:$0x2];
	_ =	strace $0x80000047  }
0x9: {  	s11 =	sand.u32 $0x70, s11;
	s29 =	sshrl.u32 s4, $0x1;
	s31 =	sand.u32 $0x600, s30  }
0xa: {  	v1 =	vmov s14;
	s14 =	simm.s32 $0x4000;
	p0 =	seq.s32 s5, $0x0;
	s9 =	smul.u32 $0x7FE, s5  }
0xb: {  	s7 =	sshrl.u32 s5, $0x2;
	s10 =	smul.u32 $0x1FF8, s5;
	p0 =	por !p1, !p0  }
0xc: {  	s5 =	sshll.u32 s5, $0x4;
	s13 =	ssub.s32 s4, s29;
	p0 =	por !p0, !p0  }
0xd: {  	s5 =	sand.u32 $0x180, s5;
	s13 =	smax.u32 s13, $0x1;
	s3 =	simm.s32 @!p0 $0x0  }
0xe: {  	s9 =	sadd.s32 s9, s6;
	s10 =	sadd.s32 s10, s6;
	s3 =	ssub.s32 s7, s3  }
0xf: {  	s5 =	sor.u32 s11, s5;
	s4 =	sadd.s32 $0x7FE600, s10;
	s7 =	sshll.u32 s3, $0x8  }
0x10: {  	s12 =	sadd.s32 s5, s6;
	s5 =	sadd.s32 $0x600, s9;
	s7 =	sand.u32 $0x1FFFFF00, s7  }
0x11: {  	s11 =	sadd.s32 $0x10E00, s12;
	s12 =	sadd.s32 $0x11000, s12;
	s7 =	sadd.s32 s7, s6  }
0x12: {  	v0 =	vimm.s32 $0x0;
	s3 =	simm.s32 $0x1;
	s6 =	sadd.s32 $0x10600, s7;
	s7 =	sadd.s32 s31, s8  }
0x13: {  	vm0 =	veq.s32 v1, $0x3;
	vm1 =	vgt.u32 v1, $0x1;
	vm2 =	veq.s32 v1, $0x0;
	s8 =	sadd.s32 s30, s8;
	s9 =	sadd.s32 $0x80, s7;
	s10 =	sadd.s32 $0x100, s7  }
.LBB2_1:
0x14: {  	[tilespmem:s14], [sflag:$0x1] =	stream.linear.gather [hbm4b:s4+s2], $0xFFC0, $0x38;
	[tilespmem:$0x14910] =	vst v63  }
0x15: {  	_ = 	snop  }
0x16: {  	[tilespmem:s2], [sflag:$0x2] =	stream.linear.gather [hbm4b:s5+s2], $0x3FF0, $0x38;
	[tilespmem:$0x14910] =	vst v63  }
0x17: {  	_ =	swait.ge [sflag:s15], $0x3FF0  }
0x18: {  	[sflag:s15] =	ssyncset.done $0x0  }
0x19: {  	[sflag:s15] =	ssyncadd.s32 $0xFFFFC010  }
0x1a: {  	[tilespmem:s16], [sflag:$0x2] =	stream.linear.gather [hbm4b:s6+s2], $0x800, $0x38;
	[tilespmem:$0x14910] =	vst v63  }
0x1b: {  	_ =	swait.ge [sflag:s15], $0x800  }
0x1c: {  	[sflag:s15] =	ssyncset.done $0x0  }
0x1d: {  	s20 =	simm.s32 $0x0;
	[sflag:s15] =	ssyncadd.s32 $0xFFFFF800  }
0x1e: {  	v1 =	vld [tilespmem:s20+$0x0]  }
0x1f: {  	s28 =	simm.s32 $0x10  }
0x20: {  	s29 =	simm.s32 $0x20;
	v2 =	vld [tilespmem:s28+$0x0]  }
0x21: {  	v3 =	vld [tilespmem:s29+$0x0];
	_ =	sdelay $0x1  }
0x22: {  	vm3 =	veq.s32 v1, $0x1  }
0x23: {  	v1 =	vsel vm3, $0x1, v0  }
0x24: {  	vm3 =	veq.s32 v2, $0x1;
	(xrf0) =	vadd.scan.msk.s32 $0xffff, v1  }
0x25: {  	v1 =	vsel vm3, $0x1, v0;
	vm3 =	veq.s32 v3, $0x1  }
0x26: {  	(xrf0) =	vadd.scan.msk.s32 $0xffff, v1;
	v1 =	vsel vm3, $0x1, v0  }
0x27: {  	s30 =	simm.s32 $0x30;
	(xrf0) =	vadd.scan.msk.s32 $0xffff, v1  }
0x28: {  	v2 =	vld [tilespmem:s30+$0x0];
	_ =	sdelay $0x1  }
0x29: {  	v1, _, _ =	vpop (xrf0)  }
0x2a: {  	(v2sf) =	vpush v1, $0xF  }
0x2b: {  	v1, _, _ =	vpop (xrf0)  }
0x2c: {  	vm3 =	veq.s32 v2, $0x1;
	(v2sf) =	vpush v1, $0xF;
	v2, _, _ =	vpop (xrf0)  }
0x2d: {  	(v2sf) =	vpush v2, $0xF;
	_ =	sdelay $0x5  }
0x2e: {  	s31 =	simm.s32 $0x40;
	v1 =	vsel vm3, $0x1, v0  }
0x2f: {  	(xrf0) =	vadd.scan.msk.s32 $0xffff, v1;
	v1 =	vld [tilespmem:s31+$0x0];
	_ =	sdelay $0x1  }
0x30: {  	s21 =	simm.s32 $0x140;
	s20 =	simm.s32 $0x0  }
.LBB2_2:
0x31: {  	p0 =	sne.s32 s21, $0xFF80  }
.Ltmp0:
0x32: {  	s22 =	sshra.s32 s21, $0x2;
	(pc) =	sbr.rel @p0 .LBB2_2-.Ltmp0, $4  }
0x33: {  	s21 =	sadd.s32 $0x40, s21;
	s23 =	spop (v2sf);
	vm3 =	veq.s32 v1, $0x1  }
0x34: {  	s20 =	sadd.s32 s20, s23;
	v1 =	vld [tilespmem:s22+$0x0];
	v3 =	vsel vm3, $0x1, v0  }
0x35: {  	(xrf0) =	vadd.scan.msk.s32 $0xffff, v3;
	v2, _, _ =	vpop (xrf0)  }
0x36: {  	(v2sf) =	vpush v2, $0xF  }
0x37: {  	_ =	sdelay $0x1  }
0x38: {  	vm3 =	veq.s32 v1, $0x1  }
0x39: {  	v1 =	vsel vm3, $0x1, v0  }
0x3a: {  	(xrf0) =	vadd.scan.msk.s32 $0xffff, v1;
	_ =	sdelay $0x4  }
0x3b: {  	v1, _, _ =	vpop (xrf0)  }
0x3c: {  	(v2sf) =	vpush v1, $0xF;
	v1, _, _ =	vpop (xrf0)  }
0x3d: {  	(v2sf) =	vpush v1, $0xF;
	_ =	sdelay $0xa  }
0x3e: {  	s21 =	spop (v2sf)  }
0x3f: {  	s22 =	spop (v2sf);
	s20 =	sadd.s32 s20, s21  }
0x40: {  	s20 =	sadd.s32 s20, s22;
	s31 =	spop (v2sf)  }
0x41: {  	s20 =	sadd.s32 s20, s31;
	s22 =	spop (v2sf)  }
0x42: {  	s20 =	sadd.s32 s20, s22;
	s23 =	spop (v2sf)  }
0x43: {  	s20 =	sadd.s32 s20, s23  }
0x44: {  	v1 =	vmov s20  }
0x45: {  	[tilespmem:$0x14800] =	vst v1  }
0x46: {  	[spmem:s8] =	stream.linear.scatter [tilespmem:s17], [sflag:$0x2], $0x80, $0x38;
	[tilespmem:$0x14910] =	vst v63  }
0x47: {  	_ =	swait.ge [sflag:s15], $0x80  }
0x48: {  	[sflag:s15] =	ssyncset.done $0x0  }
0x49: {  	[sflag:s15] =	ssyncadd.s32 $0xFFFFFF80  }
0x4a: {  	[bflag:$0x0] =	sbarrier.arrive $0xFFFF  }
0x4b: {  	[tilespmem:s17], [sflag:$0x2] =	stream.linear.gather [spmem:s7], $0x80, $0x38;
	[tilespmem:$0x14910] =	vst v63  }
0x4c: {  	_ =	swait.ge [sflag:s15], $0x80  }
0x4d: {  	[sflag:s15] =	ssyncset.done $0x0  }
0x4e: {  	[sflag:s15] =	ssyncadd.s32 $0xFFFFFF80  }
0x4f: {  	v1 =	vld [tilespmem:$0x14800];
	[tilespmem:s17], [sflag:$0x2] =	stream.linear.gather [spmem:s9], $0x80, $0x38  }
0x50: {  	_ =	swait.ge [sflag:s15], $0x80  }
0x51: {  	[sflag:s15] =	ssyncset.done $0x0  }
0x52: {  	[sflag:s15] =	ssyncadd.s32 $0xFFFFFF80  }
0x53: {  	v2 =	vld [tilespmem:$0x14800];
	[tilespmem:s17], [sflag:$0x2] =	stream.linear.gather [spmem:s10], $0x80, $0x38  }
0x54: {  	_ =	swait.ge [sflag:s15], $0x80  }
0x55: {  	[sflag:s15] =	ssyncset.done $0x0  }
0x56: {  	[sflag:s15] =	ssyncadd.s32 $0xFFFFFF80  }
0x57: {  	v3 =	vld [tilespmem:$0x14800];
	_ =	swait.ge [sflag:s3], $0xFFC0  }
0x58: {  	[sflag:s3] =	ssyncset.done $0x0  }
0x59: {  	s24 =	simm.s32 $0x0;
	[sflag:s3] =	ssyncadd.s32 $0xFFFF0040  }
0x5a: {  	v5 =	vld [tilespmem:s24+$0x0];
	_ =	sdelay $0x4  }
0x5b: {  	vm3 =	veq.s32 v5, $0x1  }
0x5c: {  	v4 =	vsel vm3, $0x1, v0  }
0x5d: {  	(xrf0) =	vadd.scan.msk.s32 $0xffff, v4;
	_ =	sdelay $0x5  }
0x5e: {  	v4, _, _ =	vpop (xrf0)  }
0x5f: {  	s25 =	simm.s32 $0x10;
	(v2sf) =	vpush v4, $0xF  }
0x60: {  	v6 =	vld [tilespmem:s25+$0x0];
	_ =	sdelay $0x4  }
0x61: {  	vm3 =	veq.s32 v6, $0x1  }
0x62: {  	v7 =	vsel vm3, $0x1, v0  }
0x63: {  	(xrf0) =	vadd.scan.msk.s32 $0xffff, v7;
	_ =	sdelay $0x5  }
0x64: {  	v1 =	vadd.s32 $0xFFFFFFFF, v1;
	v2 =	vnsel vm1, $0x0, v2;
	v3 =	vnsel vm0, $0x0, v3;
	v7, _, _ =	vpop (xrf0)  }
0x65: {  	v1 =	vsel vm2, $0xFFFFFFFF, v1;
	v2 =	vadd.s32 v3, v2;
	s26 =	spop (v2sf);
	(v2sf) =	vpush v7, $0xF  }
0x66: {  	s23 =	simm.s32 $0x0;
	v1 =	vadd.s32 v2, v1;
	p1 =	slt.s32 s26, $0x1  }
0x67: {  	v2 =	vadd.s32 @!p1 s23, v1  }
0x68: {  	s28 =	simm.s32 $0x20;
	v3 =	vlaneseq.u32 @!p1;
	v2 =	vadd.s32 @!p1 v4, v2  }
0x69: {  	v4 =	vmul.u32 @!p1 $0x4, v3;
	v3 =	vld [tilespmem:s28+$0x0];
	vm3 =	vgt.s32 @!p1 v2, $0x0  }
0x6a: {  	v2 =	vnsel @!p1 vm3, $0x0, v2  }
0x6b: {  	v8 =	vor.u32 @!p1 s23, v4;
	v2 =	vmin.u32 @!p1 v2, $0x1FF  }
0x6c: {  	v2 =	vshll.u32 @!p1 v2, $0x2;
	_ =	sdelay $0x1  }
0x6d: {  	vm3 =	veq.s32 v3, $0x1  }
0x6e: {  	s24 =	simm.s32 @!p1 $0x4000;
	v11 =	vor.u32 @!p1 $0x3, v4;
	v9 =	vsel vm3, $0x1, v0  }
0x6f: {  	s25 =	simm.s32 @!p1 $0x14000;
	p0 =	por p1, p1;
	v11 =	vor.u32 @!p1 s23, v11;
	v8 =	vld.idx.msk @!p1 [tilespmem:v8+s24+$0x0], $0xffff;
	(xrf0) =	vadd.scan.msk.s32 $0xffff, v9  }
0x70: {  	v13 =	vor.u32 @!p0 $0x3, v2;
	v10 =	vld.idx.msk @!p1 [tilespmem:v2+s25+$0x0], $0xffff;
	_ =	sdelay $0x1  }
0x71: {  	v12 =	vor.u32 @!p0 $0x1, v2;
	v9 =	vor.u32 @!p1 $0x1, v4  }
0x72: {  	v9 =	vor.u32 @!p0 s23, v9;
	s29 =	spop (v2sf)  }
0x73: {  	s22 =	sadd.s32 $0x0, s26;
	v11 =	vld.idx.msk @!p1 [tilespmem:v11+s24+$0x0], $0xffff;
	v2 =	vor.u32 @!p0 $0x2, v2;
	p3 =	slt.s32 s29, $0x1  }
0x74: {  	v13 =	vld.idx.msk @!p0 [tilespmem:v13+s25+$0x0], $0xffff;
	v14, _, _ =	vpop (xrf0);
	v8 =	vsub.f32 @!p0 v10, v8;
	v10 =	vadd.s32 @!p3 s22, v1  }
0x75: {  	v15 =	vlaneseq.u32 @!p3;
	(v2sf) =	vpush v14, $0xF;
	v7 =	vadd.s32 @!p3 v7, v10  }
0x76: {  	v4 =	vor.u32 @!p1 $0x2, v4;
	v12 =	vld.idx.msk @!p0 [tilespmem:v12+s25+$0x0], $0xffff;
	v15 =	vmul.u32 @!p3 $0x4, v15;
	vm3 =	vgt.s32 @!p3 v7, $0x0  }
0x77: {  	s26 =	simm.s32 $0x40;
	v9 =	vld.idx.msk @!p0 [tilespmem:v9+s24+$0x0], $0xffff;
	vm4 =	veq.s32 @!p3 v6, $0x1;
	v10 =	vor.u32 @!p0 s23, v4;
	v7 =	vnsel @!p3 vm3, $0x0, v7  }
0x78: {  	s30 =	simm.s32 $0x30;
	v17 =	vld.idx.msk @!p0 [tilespmem:v2+s25+$0x0], $0xffff;
	v4 =	vimm.f32 $0.0e+00;
	v16 =	vor.u32 @!p3 s26, v15;
	v7 =	vmin.u32 @!p3 v7, $0x1FF  }
0x79: {  	v2 =	vld [tilespmem:s30+$0x0];
	v11 =	vsub.f32 @!p0 v13, v11;
	v8 =	vand.u32 @!p0 $0x7FFFFFFF, v8;
	v7 =	vshll.u32 @!p3 v7, $0x2  }
0x7a: {  	vm3 =	veq.s32 @!p1 v5, $0x1;
	v5 =	vadd.f32 @!p0 $-5.000000000e-01, v8;
	v18 =	vor.u32 @!p3 $0x1, v15  }
0x7b: {  	v19 =	vor.u32 @!p3 $0x2, v15;
	v15 =	vor.u32 @!p3 $0x3, v15;
	v20 =	vmul.f32 @!p0 $5.000000000e-01, v8  }
0x7c: {  	s23 =	simm.s32 @!p3 $0x4000;
	vm6 =	vlt.f32 @!p0 v8, $1.000000000e+00;
	v11 =	vand.u32 @!p0 $0x7FFFFFFF, v11;
	p1 =	por p3, p3;
	v9 =	vsub.f32 @!p0 v12, v9;
	v10 =	vld.idx.msk @!p0 [tilespmem:v10+s24+$0x0], $0xffff  }
0x7d: {  	s25 =	simm.s32 @!p3 $0x14000;
	vm3 =	vmmov vm3;
	v12 =	vor.u32 @!p3 s26, v15;
	v22 =	vor.u32 @!p1 s26, v19;
	v6 =	vld.idx.msk @!p3 [tilespmem:v16+s23+$0x0], $0xffff  }
0x7e: {  	v8 =	vmul.f32 @!p0 v20, v8;
	vm5 =	veq.s32 v2, $0x1;
	v9 =	vand.u32 @!p0 $0x7FFFFFFF, v9;
	v13 =	vld.idx.msk @!p3 [tilespmem:v7+s25+$0x0], $0xffff  }
0x7f: {  	vm3 =	vmmov vm3;
	v20 =	vsel vm5, $0x1, v0;
	v15 =	vmul.f32 @!p0 $5.000000000e-01, v9  }
0x80: {  	v19 =	vor.u32 @!p1 $0x3, v7;
	vm7 =	vlt.f32 @!p0 v9, $1.000000000e+00;
	v16 =	vadd.f32 @!p0 $-5.000000000e-01, v9;
	p0 =	por p0, p0  }
0x81: {  	v24 =	vor.u32 @!p1 $0x2, v7;
	(xrf0) =	vadd.scan.msk.s32 $0xffff, v20;
	v15 =	vmul.f32 @!p0 v15, v9;
	v10 =	vsub.f32 @!p0 v17, v10  }
0x82: {  	vm5 =	vlt.f32 @!p0 v11, $1.000000000e+00;
	v20 =	vmul.f32 @!p0 $5.000000000e-01, v11;
	v9 =	vadd.f32 @!p0 $-5.000000000e-01, v11  }
0x83: {  	v21 =	vand.u32 @!p0 $0x7FFFFFFF, v10;
	v6 =	vsub.f32 @!p1 v13, v6;
	v13 =	vor.u32 @!p1 $0x1, v7  }
0x84: {  	v17 =	vor.u32 @!p1 s26, v18;
	v15 =	vsel @!p0 vm7, v15, v16;
	vm7 =	vlt.f32 @!p0 v21, $1.000000000e+00;
	s31 =	spop (v2sf)  }
0x85: {  	s21 =	sadd.s32 s22, s29;
	v23 =	vadd.f32 @!p0 $-5.000000000e-01, v21;
	v25 =	vmul.f32 @!p0 $5.000000000e-01, v21;
	v7 =	vsel @!p0 vm6, v8, v5;
	p2 =	slt.s32 s31, $0x1  }
0x86: {  	v10 =	vand.u32 @!p1 $0x7FFFFFFF, v6;
	v6 =	vld.idx.msk @!p3 [tilespmem:v12+s23+$0x0], $0xffff;
	v8 =	vadd.s32 @!p2 s21, v1;
	v12 =	vlaneseq.u32 @!p2  }
0x87: {  	v5, _, _ =	vpop (xrf0);
	v26 =	vadd.f32 @!p0 v15, v7;
	v15 =	vld.idx.msk @!p1 [tilespmem:v19+s25+$0x0], $0xffff;
	v8 =	vadd.s32 @!p2 v14, v8;
	v18 =	vmul.u32 @!p2 $0x4, v12  }
0x88: {  	s22 =	simm.s32 $0x80;
	(v2sf) =	vpush v5, $0xF;
	vm6 =	vgt.s32 @!p2 v8, $0x0;
	v16 =	vld.idx.msk @!p1 [tilespmem:v13+s25+$0x0], $0xffff;
	v13 =	vmul.f32 @!p0 v25, v21  }
0x89: {  	v19 =	vmul.f32 @!p0 v20, v11;
	v14 =	vld.idx.msk @!p1 [tilespmem:v17+s23+$0x0], $0xffff;
	v7 =	vnsel @!p2 vm6, $0x0, v8;
	v17 =	vor.u32 @!p2 s22, v18  }
0x8a: {  	s24 =	sadd.s32 s21, s31;
	v12 =	vld.idx.msk @!p1 [tilespmem:v24+s25+$0x0], $0xffff;
	v11 =	vor.u32 @!p2 $0x1, v18;
	v8 =	vmin.u32 @!p2 v7, $0x1FF;
	v20 =	vsel @!p0 vm7, v13, v23  }
0x8b: {  	s21 =	simm.s32 $0xC0;
	s25 =	simm.s32 $0x100;
	v7 =	vadd.f32 @!p1 $-5.000000000e-01, v10;
	v8 =	vshll.u32 @!p2 v8, $0x2;
	v13 =	vld.idx.msk @!p1 [tilespmem:v22+s23+$0x0], $0xffff;
	s23 =	smov.u32 s24;
	v20 =	vadd.f32 @!p0 v20, v26  }
.LBB2_4:
0x8c: {  	v21 =	vor.u32 @!p2 $0x2, v18  }
0x8d: {  	s26 =	sshra.s32 s25, $0x2;
	v18 =	vor.u32 @!p2 $0x3, v18;
	v9 =	vsel @!p0 vm5, v19, v9;
	vm5 =	vmmov vm4;
	s29 =	smov.u32 s25;
	s25 =	sadd.s32 $0x40, s25  }
0x8e: {  	v22 =	vmul.f32 @!p1 $5.000000000e-01, v10;
	v19 =	vld [tilespmem:s26+$0x0];
	p3 =	sne.s32 s25, $0xFFC0;
	s26 =	simm.s32 @!p2 $0x4000;
	v18 =	vor.u32 @!p2 s22, v18;
	v9 =	vadd.f32 @!p0 v9, v20  }
0x8f: {  	vm4 =	veq.s32 @!p2 v3, $0x1;
	vm6 =	vlt.f32 @!p1 v10, $1.000000000e+00;
	v3 =	vmovc v2;
	v14 =	vsub.f32 @!p1 v16, v14;
	v17 =	vld.idx.msk @!p2 [tilespmem:v17+s26+$0x0], $0xffff  }
0x90: {  	s28 =	simm.s32 @!p2 $0x14000;
	v16 =	vmul.f32 @!p1 v22, v10;
	v23 =	vsub.f32 @!p1 v15, v6;
	v6 =	vnsel @!p0 vm3, $0x0, v9  }
0x91: {  	v9 =	vand.u32 @!p1 $0x7FFFFFFF, v14;
	vm3 =	vmmov vm5;
	v10 =	vld.idx.msk @!p2 [tilespmem:v8+s28+$0x0], $0xffff;
	v14 =	vadd.f32 @!p0 v6, v4  }
0x92: {  	vm7 =	vlt.f32 @!p1 v9, $1.000000000e+00;
	v15 =	vmul.f32 @!p1 $5.000000000e-01, v9;
	v20 =	vadd.f32 @!p1 $-5.000000000e-01, v9  }
0x93: {  	v22 =	vand.u32 @!p1 $0x7FFFFFFF, v23;
	vm5 =	veq.s32 v19, $0x1;
	v6 =	vld.idx.msk @!p2 [tilespmem:v18+s26+$0x0], $0xffff;
	v4 =	vpsel p0, v4, v14;
	v2 =	vmovc v19;
	p0 =	por p1, p1;
	p1 =	por p2, p2  }
0x94: {  	v14 =	vsel vm5, $0x1, v0;
	v15 =	vmul.f32 @!p0 v15, v9;
	v12 =	vsub.f32 @!p0 v12, v13  }
0x95: {  	vm5 =	vlt.f32 @!p0 v22, $1.000000000e+00;
	v13 =	vmul.f32 @!p0 $5.000000000e-01, v22;
	v9 =	vadd.f32 @!p0 $-5.000000000e-01, v22;
	(xrf0) =	vadd.scan.msk.s32 $0xffff, v14  }
0x96: {  	v11 =	vor.u32 @!p1 s22, v11;
	v15 =	vsel @!p0 vm7, v15, v20;
	v12 =	vand.u32 @!p0 $0x7FFFFFFF, v12  }
0x97: {  	v10 =	vsub.f32 @!p1 v10, v17;
	v17 =	vor.u32 @!p1 $0x1, v8;
	vm7 =	vlt.f32 @!p0 v12, $1.000000000e+00  }
0x98: {  	v19 =	vor.u32 @!p1 $0x3, v8;
	v20 =	vor.u32 @!p1 s22, v21;
	s22 =	smov.u32 s21;
	s21 =	smov.u32 s29;
	v21 =	vadd.f32 @!p0 $-5.000000000e-01, v12;
	s30 =	spop (v2sf)  }
0x99: {  	v7 =	vsel @!p0 vm6, v16, v7;
	v8 =	vor.u32 @!p1 $0x2, v8;
	v10 =	vand.u32 @!p1 $0x7FFFFFFF, v10;
	p2 =	slt.s32 s30, $0x1;
	s24 =	sadd.s32 s24, s30  }
0x9a: {  	v23 =	vmul.f32 @!p0 $5.000000000e-01, v12;
	v14 =	vadd.s32 @!p2 s23, v1;
	v16 =	vlaneseq.u32 @!p2;
	s23 =	smov.u32 s24  }
.Ltmp1:
0x9b: {  	v25 =	vadd.f32 @!p0 v15, v7;
	v24 =	vadd.s32 @!p2 v5, v14;
	v5, _, _ =	vpop (xrf0);
	v18 =	vmul.u32 @!p2 $0x4, v16;
	v14 =	vld.idx.msk @!p1 [tilespmem:v11+s26+$0x0], $0xffff;
	(pc) =	sbr.rel @p3 .LBB2_4-.Ltmp1, $4  }
0x9c: {  	v11 =	vmul.f32 @!p0 v23, v12;
	(v2sf) =	vpush v5, $0xF;
	vm6 =	vgt.s32 @!p2 v24, $0x0;
	v16 =	vld.idx.msk @!p1 [tilespmem:v17+s28+$0x0], $0xffff  }
0x9d: {  	v7 =	vnsel @!p2 vm6, $0x0, v24;
	v17 =	vor.u32 @!p2 s22, v18;
	v15 =	vld.idx.msk @!p1 [tilespmem:v19+s28+$0x0], $0xffff;
	v19 =	vmul.f32 @!p0 v13, v22  }
0x9e: {  	v21 =	vsel @!p0 vm7, v11, v21;
	v13 =	vmin.u32 @!p2 v7, $0x1FF;
	v7 =	vadd.f32 @!p1 $-5.000000000e-01, v10;
	v12 =	vld.idx.msk @!p1 [tilespmem:v8+s28+$0x0], $0xffff  }
0x9f: {  	v11 =	vor.u32 @!p2 $0x1, v18;
	v8 =	vshll.u32 @!p2 v13, $0x2;
	v13 =	vld.idx.msk @!p1 [tilespmem:v20+s26+$0x0], $0xffff;
	v20 =	vadd.f32 @!p0 v21, v25  }
0xa0: {  	_ = 	snop  }
0xa1: {  	v21 =	vor.u32 @!p2 $0x2, v18  }
0xa2: {  	v18 =	vor.u32 @!p2 $0x3, v18;
	v9 =	vsel @!p0 vm5, v19, v9;
	vm15 =	vmmov vm4  }
0xa3: {  	v19 =	vmul.f32 @!p1 $5.000000000e-01, v10;
	vm4 =	veq.s32 @!p2 v3, $0x1;
	v9 =	vadd.f32 @!p0 v9, v20  }
0xa4: {  	vm6 =	vlt.f32 @!p1 v10, $1.000000000e+00;
	v14 =	vsub.f32 @!p1 v16, v14;
	v16 =	vor.u32 @!p2 s22, v18  }
0xa5: {  	s24 =	simm.s32 @!p2 $0x4000;
	vm5 =	vmmov vm15;
	v10 =	vmul.f32 @!p1 v19, v10;
	v3 =	vnsel @!p0 vm3, $0x0, v9  }
0xa6: {  	s25 =	simm.s32 @!p2 $0x14000;
	v17 =	vld.idx.msk @!p2 [tilespmem:v17+s24+$0x0], $0xffff;
	v6 =	vsub.f32 @!p1 v15, v6;
	v9 =	vand.u32 @!p1 $0x7FFFFFFF, v14;
	v3 =	vadd.f32 @!p0 v3, v4  }
0xa7: {  	p3 =	por p1, p1;
	v14 =	vld.idx.msk @!p2 [tilespmem:v8+s25+$0x0], $0xffff;
	v15 =	vmul.f32 @!p1 $5.000000000e-01, v9;
	vm7 =	vlt.f32 @!p1 v9, $1.000000000e+00;
	v18 =	vadd.f32 @!p1 $-5.000000000e-01, v9  }
0xa8: {  	v6 =	vand.u32 @!p1 $0x7FFFFFFF, v6;
	v7 =	vsel @!p3 vm6, v10, v7;
	v3 =	vpsel p0, v4, v3;
	p0 =	por p2, p2  }
0xa9: {  	v4 =	vmul.f32 @!p3 v15, v9;
	v9 =	vsub.f32 @!p3 v12, v13;
	v11 =	vor.u32 @!p0 s22, v11  }
0xaa: {  	vm3 =	vlt.f32 @!p3 v6, $1.000000000e+00;
	v12 =	vmul.f32 @!p3 $5.000000000e-01, v6;
	v15 =	vor.u32 @!p0 $0x1, v8  }
0xab: {  	v13 =	vadd.f32 @!p3 $-5.000000000e-01, v6;
	v4 =	vsel @!p3 vm7, v4, v18;
	v9 =	vand.u32 @!p3 $0x7FFFFFFF, v9;
	s26 =	spop (v2sf)  }
0xac: {  	v14 =	vsub.f32 @!p0 v14, v17;
	v17 =	vor.u32 @!p0 s22, v21;
	v18 =	vor.u32 @!p0 $0x3, v8;
	p1 =	slt.s32 s26, $0x1  }
0xad: {  	v8 =	vor.u32 @!p0 $0x2, v8;
	v6 =	vmul.f32 @!p3 v12, v6;
	v1 =	vadd.s32 @!p1 s23, v1  }
0xae: {  	v4 =	vadd.f32 @!p3 v4, v7;
	v11 =	vld.idx.msk @!p0 [tilespmem:v11+s24+$0x0], $0xffff;
	v10 =	vlaneseq.u32 @!p1;
	v1 =	vadd.s32 @!p1 v5, v1  }
0xaf: {  	v7 =	vld.idx.msk @!p0 [tilespmem:v15+s25+$0x0], $0xffff;
	v5 =	vmul.f32 @!p3 $5.000000000e-01, v9;
	v10 =	vmul.u32 @!p1 $0x4, v10;
	vm6 =	vgt.s32 @!p1 v1, $0x0  }
0xb0: {  	vm7 =	vlt.f32 @!p3 v9, $1.000000000e+00;
	v19 =	vadd.f32 @!p3 $-5.000000000e-01, v9;
	v1 =	vnsel @!p1 vm6, $0x0, v1  }
0xb1: {  	v15 =	vld.idx.msk @!p2 [tilespmem:v16+s24+$0x0], $0xffff;
	p2 =	por p1, p1;
	v5 =	vmul.f32 @!p3 v5, v9;
	v9 =	vor.u32 @!p1 s21, v10;
	v12 =	vor.u32 @!p1 $0x1, v10  }
0xb2: {  	vm4 =	vmmov vm4;
	v1 =	vmin.u32 @!p1 v1, $0x1FF;
	v12 =	vor.u32 @!p2 s21, v12  }
0xb3: {  	v14 =	vand.u32 @!p0 $0x7FFFFFFF, v14;
	v6 =	vsel @!p3 vm3, v6, v13;
	v16 =	vld.idx.msk @!p0 [tilespmem:v18+s25+$0x0], $0xffff;
	v1 =	vshll.u32 @!p1 v1, $0x2  }
0xb4: {  	v8 =	vld.idx.msk @!p0 [tilespmem:v8+s25+$0x0], $0xffff;
	v7 =	vsub.f32 @!p0 v7, v11;
	v5 =	vsel @!p3 vm7, v5, v19;
	v19 =	vor.u32 @!p2 $0x1, v1  }
0xb5: {  	v17 =	vld.idx.msk @!p0 [tilespmem:v17+s24+$0x0], $0xffff;
	s22 =	simm.s32 @!p1 $0x4000;
	v4 =	vadd.f32 @!p3 v5, v4;
	v5 =	vor.u32 @!p1 $0x3, v10;
	v11 =	vor.u32 @!p2 $0x3, v1  }
0xb6: {  	v13 =	vmul.f32 @!p0 $5.000000000e-01, v14;
	v18 =	vadd.f32 @!p0 $-5.000000000e-01, v14;
	v5 =	vor.u32 @!p1 s21, v5;
	v9 =	vld.idx.msk @!p1 [tilespmem:v9+s22+$0x0], $0xffff  }
0xb7: {  	s23 =	simm.s32 @!p1 $0x14000;
	vm3 =	veq.s32 @!p1 v2, $0x1;
	vm6 =	vlt.f32 @!p0 v14, $1.000000000e+00;
	v10 =	vor.u32 @!p1 $0x2, v10;
	v12 =	vld.idx.msk @!p2 [tilespmem:v12+s22+$0x0], $0xffff  }
0xb8: {  	v7 =	vand.u32 @!p0 $0x7FFFFFFF, v7;
	v10 =	vor.u32 @!p2 s21, v10;
	v4 =	vadd.f32 @!p3 v6, v4;
	v2 =	vld.idx.msk @!p1 [tilespmem:v1+s23+$0x0], $0xffff  }
0xb9: {  	v6 =	vmul.f32 @!p0 v13, v14;
	v13 =	vsub.f32 @!p0 v16, v15;
	v1 =	vor.u32 @!p2 $0x2, v1;
	v15 =	vld.idx.msk @!p2 [tilespmem:v19+s23+$0x0], $0xffff  }
0xba: {  	v14 =	vmul.f32 @!p0 $5.000000000e-01, v7;
	v16 =	vadd.f32 @!p0 $-5.000000000e-01, v7;
	v4 =	vnsel @!p3 vm5, $0x0, v4;
	v11 =	vld.idx.msk @!p2 [tilespmem:v11+s23+$0x0], $0xffff  }
0xbb: {  	vm5 =	vlt.f32 @!p0 v7, $1.000000000e+00;
	v13 =	vand.u32 @!p0 $0x7FFFFFFF, v13;
	v4 =	vadd.f32 @!p3 v4, v3;
	v5 =	vld.idx.msk @!p1 [tilespmem:v5+s22+$0x0], $0xffff;
	p1 =	por p0, p0  }
0xbc: {  	v7 =	vmul.f32 @!p1 v14, v7;
	v8 =	vsub.f32 @!p1 v8, v17;
	v14 =	vadd.f32 @!p1 $-5.000000000e-01, v13  }
0xbd: {  	v10 =	vld.idx.msk @!p2 [tilespmem:v10+s22+$0x0], $0xffff;
	v6 =	vsel @!p1 vm6, v6, v18;
	v2 =	vsub.f32 @!p2 v2, v9;
	v9 =	vmul.f32 @!p1 $5.000000000e-01, v13  }
0xbe: {  	v7 =	vsel @!p1 vm5, v7, v16;
	v1 =	vld.idx.msk @!p2 [tilespmem:v1+s23+$0x0], $0xffff;
	v8 =	vand.u32 @!p1 $0x7FFFFFFF, v8;
	v12 =	vsub.f32 @!p2 v15, v12  }
0xbf: {  	v15 =	vadd.f32 @!p1 $-5.000000000e-01, v8;
	v16 =	vmul.f32 @!p1 $5.000000000e-01, v8;
	vm6 =	vlt.f32 @!p1 v8, $1.000000000e+00  }
0xc0: {  	v6 =	vadd.f32 @!p1 v7, v6;
	v2 =	vand.u32 @!p2 $0x7FFFFFFF, v2;
	v5 =	vsub.f32 @!p2 v11, v5  }
0xc1: {  	v7 =	vmul.f32 @!p1 v9, v13;
	v17 =	vmul.f32 @!p2 $5.000000000e-01, v2;
	v19 =	vadd.f32 @!p2 $-5.000000000e-01, v2  }
0xc2: {  	p0 =	por p2, p2;
	v11 =	vand.u32 @!p2 $0x7FFFFFFF, v12;
	vm5 =	vlt.f32 @!p2 v2, $1.000000000e+00;
	v16 =	vmul.f32 @!p1 v16, v8  }
0xc3: {  	vm7 =	vlt.f32 @!p2 v11, $1.000000000e+00;
	v12 =	vmul.f32 @!p2 $5.000000000e-01, v11;
	v1 =	vsub.f32 @!p0 v1, v10  }
0xc4: {  	v5 =	vand.u32 @!p2 $0x7FFFFFFF, v5;
	v2 =	vmul.f32 @!p2 v17, v2;
	v17 =	vadd.f32 @!p2 $-5.000000000e-01, v11  }
0xc5: {  	v8 =	vsel @!p1 vm6, v16, v15;
	vm6 =	vlt.f32 @!p1 v13, $1.000000000e+00;
	v1 =	vand.u32 @!p0 $0x7FFFFFFF, v1  }
0xc6: {  	v9 =	vmul.f32 @!p0 v12, v11;
	v6 =	vadd.f32 @!p1 v8, v6;
	v8 =	vmul.f32 @!p0 $5.000000000e-01, v1  }
0xc7: {  	v10 =	vmul.f32 @!p0 $5.000000000e-01, v5;
	v7 =	vsel @!p1 vm6, v7, v14;
	v2 =	vsel @!p0 vm5, v2, v19  }
0xc8: {  	v9 =	vsel @!p0 vm7, v9, v17;
	v11 =	vadd.f32 @!p0 $-5.000000000e-01, v1;
	v8 =	vmul.f32 @!p0 v8, v1  }
0xc9: {  	v6 =	vadd.f32 @!p1 v7, v6;
	vm5 =	vlt.f32 @!p0 v1, $1.000000000e+00;
	v1 =	vadd.f32 @!p0 v9, v2  }
0xca: {  	v7 =	vmul.f32 @!p0 v10, v5;
	v2 =	vadd.f32 @!p0 $-5.000000000e-01, v5;
	v8 =	vsel @!p0 vm5, v8, v11  }
0xcb: {  	vm4 =	vmmov vm4;
	vm5 =	vlt.f32 @!p0 v5, $1.000000000e+00;
	v1 =	vadd.f32 @!p0 v8, v1  }
0xcc: {  	v3 =	vpsel p3, v3, v4;
	v4 =	vnsel @!p1 vm4, $0x0, v6;
	v2 =	vsel @!p0 vm5, v7, v2  }
0xcd: {  	vm3 =	vmmov vm3;
	v4 =	vadd.f32 @!p1 v4, v3;
	v1 =	vadd.f32 @!p0 v2, v1  }
0xce: {  	vm3 =	vmmov vm3  }
0xcf: {  	v2 =	vpsel p1, v3, v4;
	v1 =	vnsel @!p0 vm3, $0x0, v1  }
0xd0: {  	v1 =	vadd.f32 @!p0 v1, v2;
	_ =	sdelay $0x1  }
0xd1: {  	v1 =	vpsel p0, v2, v1  }
0xd2: {  	[tilespmem:$0x14880] =	vst v1  }
0xd3: {  	[hbm4b:s11+s2] =	stream.linear.scatter [tilespmem:s18], [sflag:$0x2], $0x80, $0x38;
	[tilespmem:$0x14910] =	vst v63  }
0xd4: {  	s20 =	scvt.s32.f32 s20;
	_ =	swait.ge [sflag:s15], $0x80  }
0xd5: {  	s19 =	sadd.s32 $0x1, s19;
	[sflag:s15] =	ssyncset.done $0x0  }
0xd6: {  	p0 =	sne.s32 s19, s13;
	v1 =	vmov s20;
	[sflag:s15] =	ssyncadd.s32 $0xFFFFFF80  }
.Ltmp2:
0xd7: {  	[tilespmem:$0x14880] =	vst v1;
	(pc) =	sbr.rel @p0 .LBB2_1-.Ltmp2, $4  }
0xd8: {  	[hbm4b:s12+s2] =	stream.linear.scatter [tilespmem:s18], [sflag:$0x2], $0x80, $0x38;
	[tilespmem:$0x14910] =	vst v63  }
0xd9: {  	_ =	swait.ge [sflag:s15], $0x80  }
0xda: {  	[sflag:s15] =	ssyncset.done $0x0  }
0xdb: {  	[sflag:s15] =	ssyncadd.s32 $0xFFFFFF80  }
0xdc: {  	_ =	sfence.sel $0x180000  }
0xdd: {  	[bflag:$0x0] =	sbarrier.arrive $0xFFFF  }
0xde: {  	p0 =	sne.s32 s0, $0x0;
	_ =	strace $0x90000047  }
0xdf: {  	s0 =	sadd.s32 @!p0 $0x100000, s1;
	[bflag:$0x2] =	sbarrier.arrive $0xFFFF  }
0xe0: {  	[sflag:s0] =	ssyncadd.tile.s32 @!p0 $0x1;
	_ =	shalt  }
.Lfunc_end2:
_tile_overlayer_lowered:
.L_overlay_start_2:
0xe1: {  	(tag) =	ssettag $0x2  }
0xe2: {  	s0 =	rddreg [dreg:$0x0];
	s2 =	stileid.u32  }
0xe3: {  	s1 =	rddreg [dreg:$0x1];
	p0 =	sne.s32 s2, $0x0  }
0xe4: {  	s3 =	rddreg [dreg:$0x2];
	[bflag:$0x3] =	sbarrier.arrive $0xFFFF;
	s2 =	simm.s32 @!p0 $0x1C02  }
0xe5: {  	[timem:s3], [sflag:s2] =	dma.local @!p0 [hbm:s0], s1  }
0xe6: {  	s0 =	simm.s32 @!p0 $0x2  }
0xe7: {  	_ =	swait.ge @!p0 [sflag:s0], s1  }
0xe8: {  	s1 =	ssub.s32 @!p0 $0x0, s1;
	[sflag:s0] =	ssyncset.done @!p0 $0x0  }
0xe9: {  	[sflag:s0] =	ssyncadd.s32 @!p0 s1  }
0xea: {  	[bflag:$0x3] =	sbarrier.arrive $0xFFFF  }
0xeb: {  	_ =	shalt  }

</sc_bundles>
